<compile_context>
chip_gen: v7x
topology: tpu7x:2x2x1
jax: 0.10.2.dev20260603
libtpu: 0.0.44.dev20260713+nightly
codegen_flags: <defaults>
</compile_context>

<pallas_src>
import functools

import jax
import jax.numpy as jnp
from jax import lax
from jax.experimental import pallas as pl
from jax.experimental.pallas import tpu as pltpu
from jax.experimental.pallas import tpu_sc as plsc

_NPOINT = 2048



_CW = 256


def _fps_kernel(x_ref, y_ref, z_ref, f0_ref, idx_ref, xyz_ref, dist_ref,
                iota_ref, *, npoint):
    B, N = x_ref.shape
    CW = _CW
    NCH = N // CW
    dist_ref[...] = jnp.full((B, N), 1e10, jnp.float32)
    iota_ref[...] = lax.broadcasted_iota(jnp.int32, (B, N), 1)
    boffs = lax.broadcasted_iota(jnp.int32, (1, B), 1) * N

    f0 = f0_ref[...]
    mask0 = iota_ref[...] == f0
    cx0 = jnp.sum(jnp.where(mask0, x_ref[...], 0.0), axis=1, keepdims=True)
    cy0 = jnp.sum(jnp.where(mask0, y_ref[...], 0.0), axis=1, keepdims=True)
    cz0 = jnp.sum(jnp.where(mask0, z_ref[...], 0.0), axis=1, keepdims=True)

    def body(i, carry):
        f_col, cx, cy, cz = carry

        fbits = lax.bitcast_convert_type(f_col, jnp.float32)
        packed = jnp.concatenate([cx, cy, cz, fbits], axis=1)
        rows = jnp.transpose(packed)
        xyz_ref[pl.ds(i, 1), :, :] = rows[0:3].reshape(1, 3, B)
        f_row = lax.bitcast_convert_type(rows[3:4], jnp.int32)
        idx_ref[pl.ds(i, 1), :, :] = (f_row + boffs).reshape(1, 1, B)

        runV = jnp.full((B, CW), -1.0, jnp.float32)
        runI = jnp.zeros((B, CW), jnp.int32)
        runX = jnp.zeros((B, CW), jnp.float32)
        runY = jnp.zeros((B, CW), jnp.float32)
        runZ = jnp.zeros((B, CW), jnp.float32)
        for j in range(NCH):
            sl = pl.ds(j * CW, CW)
            xj = x_ref[:, sl]
            yj = y_ref[:, sl]
            zj = z_ref[:, sl]
            dx = xj - cx
            dy = yj - cy
            dz = zj - cz
            dn = jnp.minimum(dist_ref[:, sl], (dx * dx + dz * dz) + dy * dy)
            dist_ref[:, sl] = dn
            gt = dn > runV
            runV = jnp.where(gt, dn, runV)
            runI = jnp.where(gt, iota_ref[:, sl], runI)
            runX = jnp.where(gt, xj, runX)
            runY = jnp.where(gt, yj, runY)
            runZ = jnp.where(gt, zj, runZ)

        m = jnp.max(runV, axis=1, keepdims=True)
        selm = runV == m
        f_new = jnp.min(jnp.where(selm, runI, N), axis=1, keepdims=True)
        am = runI == f_new
        ncx = jnp.sum(jnp.where(am, runX, 0.0), axis=1, keepdims=True)
        ncy = jnp.sum(jnp.where(am, runY, 0.0), axis=1, keepdims=True)
        ncz = jnp.sum(jnp.where(am, runZ, 0.0), axis=1, keepdims=True)
        return f_new, ncx, ncy, ncz

    lax.fori_loop(0, npoint, body, (f0, cx0, cy0, cz0))


def _fps(x, y, z, f0, npoint):
    B, N = x.shape
    idx_out, xyz_out = pl.pallas_call(
        functools.partial(_fps_kernel, npoint=npoint),
        out_shape=[
            jax.ShapeDtypeStruct((npoint, 1, B), jnp.int32),
            jax.ShapeDtypeStruct((npoint, 3, B), jnp.float32),
        ],
        scratch_shapes=[
            pltpu.VMEM((B, N), jnp.float32),
            pltpu.VMEM((B, N), jnp.int32),
        ],
    )(x, y, z, f0)
    return idx_out, xyz_out



def _sc_gather(table, idx):
    R, D = table.shape
    M = idx.shape[0]
    info = plsc.get_sparse_core_info()
    NW = info.num_cores * info.num_subcores
    b_per_w = M // NW
    CH = 128
    nch = b_per_w // CH
    mesh = plsc.VectorSubcoreMesh(core_axis_name="c", subcore_axis_name="s")

    @functools.partial(
        pl.kernel,
        mesh=mesh,
        out_type=jax.ShapeDtypeStruct((M, D), jnp.float32),
        scratch_types=[
            pltpu.VMEM((CH,), jnp.int32),
            pltpu.VMEM((CH, D), jnp.float32),
            pltpu.SemaphoreType.DMA,
        ],
    )
    def k(table_hbm, idx_hbm, out_hbm, idx_v, rows_v, sem):
        wid = lax.axis_index("s") * info.num_cores + lax.axis_index("c")
        base = wid * b_per_w

        def chunk(c, carry):
            off = pl.multiple_of(base + c * CH, CH)
            pltpu.sync_copy(idx_hbm.at[pl.ds(off, CH)], idx_v)
            pltpu.async_copy(table_hbm.at[idx_v], rows_v, sem).wait()
            pltpu.sync_copy(rows_v, out_hbm.at[pl.ds(off, CH)])
            return carry

        lax.fori_loop(0, nch, chunk, 0)

    return k(table, idx)



def _transpose_kernel(in_ref, out_ref):
    out_ref[0] = jnp.transpose(in_ref[0])


def _transpose_last2(g):
    B, S, D = g.shape
    TS = 512
    return pl.pallas_call(
        _transpose_kernel,
        grid=(B, S // TS),
        in_specs=[pl.BlockSpec((1, TS, D), lambda b, j: (b, j, 0))],
        out_specs=pl.BlockSpec((1, D, TS), lambda b, j: (b, 0, j)),
        out_shape=jax.ShapeDtypeStruct((B, D, S), jnp.float32),
    )(g)



def kernel(xyz, features):
    B, N, _ = xyz.shape
    D = features.shape[-1]
    S = _NPOINT

    planes = jnp.transpose(xyz, (2, 0, 1))
    f0 = jax.random.randint(
        jax.random.key(42), (B,), 0, N, dtype=jnp.int32
    ).reshape(B, 1)

    idx_out, xyz_out = _fps(planes[0], planes[1], planes[2], f0, S)
    new_xyz = jnp.transpose(xyz_out, (2, 1, 0))
    gidx = jnp.transpose(idx_out.reshape(S, B)).reshape(-1)

    gathered = _sc_gather(features.reshape(B * N, D), gidx)
    new_features = _transpose_last2(gathered.reshape(B, S, D))
    return new_xyz, new_features

# --- scband reference (transcript-rebuilt; emitter-appended) ---
"""Pipeline reference for scband-sgpool-73177652789809 (READ-ONLY COPY).

The authoritative reference and input builder live on the scoring server;
editing this copy changes nothing except your own understanding.
"""

import jax, jax.numpy as jnp
import numpy as np

NPOINT = 2048


def farthest_point_sample(xyz, npoint):
    B, N, C = xyz.shape
    distance = jnp.full((B, N), 1e10, dtype=xyz.dtype)
    # torch version uses torch.randint for the seed point; use a fixed jax key for determinism
    farthest = jax.random.randint(jax.random.key(42), (B,), 0, N, dtype=jnp.int32)
    batch_indices = jnp.arange(B)
    centroids = jnp.zeros((B, npoint), dtype=jnp.int32)

    def body(i, state):
        centroids, distance, farthest = state
        centroids = centroids.at[:, i].set(farthest)
        centroid = xyz[batch_indices, farthest, :].reshape(B, 1, 3)
        dist = jnp.sum((xyz - centroid) ** 2, -1)
        distance = jnp.minimum(distance, dist)
        farthest = jnp.argmax(distance, -1).astype(jnp.int32)
        return (centroids, distance, farthest)

    centroids, _, _ = jax.lax.fori_loop(0, npoint, body, (centroids, distance, farthest))
    return centroids


def index_points(points, idx):
    # points: [B, N, D], idx: [B, S] -> [B, S, D]
    B = points.shape[0]
    batch_indices = jnp.arange(B)[:, None]
    return points[batch_indices, idx, :]


def setup_inputs(seed: int = 0) -> dict:
    key = jax.random.key(seed)
    k1, k2 = jax.random.split(key)
    xyz = jax.random.uniform(k1, (16, 8192, 3), dtype=jnp.float32)
    features = jax.random.normal(k2, (16, 8192, 256), dtype=jnp.float32)
    return {"xyz": xyz, "features": features}


def reference(xyz, features):
    fps_idx = farthest_point_sample(xyz, NPOINT)
    new_xyz = jnp.transpose(index_points(xyz, fps_idx), (0, 2, 1))
    new_features = jnp.transpose(index_points(features, fps_idx), (0, 2, 1))
    return (new_xyz, new_features)

if __name__ == "__main__":
    import jax
    _d = setup_inputs()
    print(jax.jit(kernel)(*tuple(_d.values())))

</pallas_src>

<mosaic_0001>
#map = affine_map<(d0, d1) -> (0, 0)>
#map1 = affine_map<(d0, d1) -> (0)>
module attributes {stable_mosaic.version = 14 : i64} {
  func.func @k(%arg0: i32, %arg1: i32, %arg2: memref<131072x256xf32, #tpu.memory_space<hbm>>, %arg3: memref<32768xi32, #tpu.memory_space<hbm>>, %arg4: memref<32768x256xf32, #tpu.memory_space<hbm>>, %arg5: memref<128xi32, #tpu.memory_space<vmem>>, %arg6: memref<128x256xf32, #tpu.memory_space<vmem>>, %arg7: memref<!tpu.dma_semaphore, #tpu.memory_space<semaphore_mem>>) attributes {dimension_semantics = [#tpu.dimension_semantics<core_parallel>, #tpu.dimension_semantics<subcore_parallel>], iteration_bounds = array<i64: 2, 16>, scalar_prefetch = 0 : i64, scratch_operands = 3 : i64, tpu.core_type = #tpu.core_type<sc_vector_subcore>, window_params = [{transform_indices = #map}, {transform_indices = #map1}, {transform_indices = #map}]} {
    %mul3A = arith.constant 2 : i32
    %mul3A_0 = arith.muli %arg1, %mul3A : i32
    %add3A = arith.addi %mul3A_0, %arg0 : i32
    %mul3A_1 = arith.constant 1024 : i32
    %mul3A_2 = arith.muli %add3A, %mul3A_1 : i32
    %scan3A = arith.constant 0 : i32
    %scan3A_3 = arith.constant 0 : i32
    %scan3A_4 = arith.constant 8 : i32
    %scan3A_5 = arith.addi %scan3A_3, %scan3A_4 : i32
    %scan3A_6 = arith.constant 1 : i32
    scf.for %scan3A_8 = %scan3A_3 to %scan3A_5 step %scan3A_6  : i32 {
      %mul3A_9 = arith.constant 128 : i32
      %mul3A_10 = arith.muli %scan3A_8, %mul3A_9 : i32
      %add3A_11 = arith.addi %mul3A_2, %mul3A_10 : i32
      %multiple_of3A = tpu.assume_multiple %add3A_11, 128 : i32
      "tpu.region"() ({
        %run_scoped3A = tpu.sem_alloc : memref<!tpu.dma_semaphore, #tpu.memory_space<semaphore_mem>>
        %dma_start3A_16 = tpu.memref_slice %arg3[%multiple_of3A] : memref<32768xi32, #tpu.memory_space<hbm>> -> memref<128xi32, #tpu.memory_space<hbm>>
        %dma_start3A_17 = tpu.memref_slice %arg3[%multiple_of3A] : memref<32768xi32, #tpu.memory_space<hbm>> -> memref<128xi32, #tpu.memory_space<hbm>>
        tpu.enqueue_dma source(%dma_start3A_17 : memref<128xi32, #tpu.memory_space<hbm>>) target(%arg5 : memref<128xi32, #tpu.memory_space<vmem>>) target_semaphore(%run_scoped3A : memref<!tpu.dma_semaphore, #tpu.memory_space<semaphore_mem>>)
        %dma_wait3A_18 = tpu.memref_slice %arg3[%multiple_of3A] : memref<32768xi32, #tpu.memory_space<hbm>> -> memref<128xi32, #tpu.memory_space<hbm>>
        %dma_wait3A_19 = tpu.memref_slice %arg3[%multiple_of3A] : memref<32768xi32, #tpu.memory_space<hbm>> -> memref<128xi32, #tpu.memory_space<hbm>>
        tpu.wait_dma2 semaphore(%run_scoped3A : memref<!tpu.dma_semaphore, #tpu.memory_space<semaphore_mem>>) src(%dma_wait3A_19 : memref<128xi32, #tpu.memory_space<hbm>>) dst(%arg5 : memref<128xi32, #tpu.memory_space<vmem>>)
        tpu.yield
      }) : () -> ()
      %dma_start3A = arith.constant 0 : i32
      %dma_start3A_12 = arith.constant 0 : i32
      %dma_start3A_13 = tpu.memref_slice %arg2[%dma_start3A, %dma_start3A_12] : memref<131072x256xf32, #tpu.memory_space<hbm>> -> memref<131072x256xf32, #tpu.memory_space<hbm>>
      tpu.enqueue_indirect_dma source(%dma_start3A_13 : memref<131072x256xf32, #tpu.memory_space<hbm>>) target(%arg6 : memref<128x256xf32, #tpu.memory_space<vmem>>) offsets(%arg5 : memref<128xi32, #tpu.memory_space<vmem>>) semaphore(%arg7 : memref<!tpu.dma_semaphore, #tpu.memory_space<semaphore_mem>>)
      %dma_wait3A = arith.constant 0 : i32
      %dma_wait3A_14 = arith.constant 0 : i32
      %dma_wait3A_15 = tpu.memref_slice %arg2[%dma_wait3A, %dma_wait3A_14] : memref<131072x256xf32, #tpu.memory_space<hbm>> -> memref<131072x256xf32, #tpu.memory_space<hbm>>
      tpu.wait_indirect_dma semaphore(%arg7 : memref<!tpu.dma_semaphore, #tpu.memory_space<semaphore_mem>>) src(%dma_wait3A_15 : memref<131072x256xf32, #tpu.memory_space<hbm>>) dst(%arg6 : memref<128x256xf32, #tpu.memory_space<vmem>>)
      "tpu.region"() ({
        %run_scoped3A = tpu.sem_alloc : memref<!tpu.dma_semaphore, #tpu.memory_space<semaphore_mem>>
        %dma_start3A_16 = arith.constant 0 : i32
        %dma_start3A_17 = tpu.memref_slice %arg4[%multiple_of3A, %dma_start3A_16] : memref<32768x256xf32, #tpu.memory_space<hbm>> -> memref<128x256xf32, #tpu.memory_space<hbm>>
        %dma_start3A_18 = arith.constant 0 : i32
        %dma_start3A_19 = tpu.memref_slice %arg4[%multiple_of3A, %dma_start3A_18] : memref<32768x256xf32, #tpu.memory_space<hbm>> -> memref<128x256xf32, #tpu.memory_space<hbm>>
        tpu.enqueue_dma source(%arg6 : memref<128x256xf32, #tpu.memory_space<vmem>>) target(%dma_start3A_19 : memref<128x256xf32, #tpu.memory_space<hbm>>) target_semaphore(%run_scoped3A : memref<!tpu.dma_semaphore, #tpu.memory_space<semaphore_mem>>)
        %dma_wait3A_20 = arith.constant 0 : i32
        %dma_wait3A_21 = tpu.memref_slice %arg4[%multiple_of3A, %dma_wait3A_20] : memref<32768x256xf32, #tpu.memory_space<hbm>> -> memref<128x256xf32, #tpu.memory_space<hbm>>
        %dma_wait3A_22 = arith.constant 0 : i32
        %dma_wait3A_23 = tpu.memref_slice %arg4[%multiple_of3A, %dma_wait3A_22] : memref<32768x256xf32, #tpu.memory_space<hbm>> -> memref<128x256xf32, #tpu.memory_space<hbm>>
        tpu.wait_dma2 semaphore(%run_scoped3A : memref<!tpu.dma_semaphore, #tpu.memory_space<semaphore_mem>>) src(%arg6 : memref<128x256xf32, #tpu.memory_space<vmem>>) dst(%dma_wait3A_23 : memref<128x256xf32, #tpu.memory_space<hbm>>)
        tpu.yield
      }) : () -> ()
    }
    %scan3A_7 = arith.constant 8 : i32
    return
  }
}

module attributes {stable_mosaic.version = 14 : i64} {
  func.func @_fps_kernel(%arg0: memref<16x8192xf32, #tpu.memory_space<vmem>>, %arg1: memref<16x8192xf32, #tpu.memory_space<vmem>>, %arg2: memref<16x8192xf32, #tpu.memory_space<vmem>>, %arg3: memref<16x1xi32, #tpu.memory_space<vmem>>, %arg4: memref<2048x1x16xi32, #tpu.memory_space<vmem>>, %arg5: memref<2048x3x16xf32, #tpu.memory_space<vmem>>, %arg6: memref<16x8192xf32, #tpu.memory_space<vmem>>, %arg7: memref<16x8192xi32, #tpu.memory_space<vmem>>) attributes {dimension_semantics = [], scalar_prefetch = 0 : i64, scratch_operands = 2 : i64, tpu.core_type = #tpu.core_type<tc>} {
    %broadcast_in_dim3A = arith.constant 1.000000e+10 : f32
    %broadcast_in_dim3A_0 = vector.broadcast %broadcast_in_dim3A : f32 to vector<16x8192xf32>
    %swap3A = arith.constant 0 : index
    %swap3A_1 = arith.constant 0 : index
    %swap3A_2 = vector.load %arg6[%swap3A, %swap3A_1] : memref<16x8192xf32, #tpu.memory_space<vmem>>, vector<16x8192xf32>
    tpu.vector_store %arg6[%swap3A, %swap3A_1], %broadcast_in_dim3A_0 {strides = array<i32>} : memref<16x8192xf32, #tpu.memory_space<vmem>>, vector<16x8192xf32>,
    %iota3A = tpu.iota {dimensions = array<i32: 1>} : vector<16x8192xi32>
    %swap3A_3 = arith.constant 0 : index
    %swap3A_4 = arith.constant 0 : index
    %swap3A_5 = vector.load %arg7[%swap3A_3, %swap3A_4] : memref<16x8192xi32, #tpu.memory_space<vmem>>, vector<16x8192xi32>
    tpu.vector_store %arg7[%swap3A_3, %swap3A_4], %iota3A {strides = array<i32>} : memref<16x8192xi32, #tpu.memory_space<vmem>>, vector<16x8192xi32>,
    %iota3A_6 = tpu.iota {dimensions = array<i32: 1>} : vector<1x16xi32>
    %mul3A = arith.constant 8192 : i32
    %mul3A_7 = vector.broadcast %mul3A : i32 to vector<1x16xi32>
    %mul3A_8 = arith.muli %iota3A_6, %mul3A_7 : vector<1x16xi32>
    %get3A = arith.constant 0 : index
    %get3A_9 = arith.constant 0 : index
    %get3A_10 = vector.load %arg3[%get3A, %get3A_9] : memref<16x1xi32, #tpu.memory_space<vmem>>, vector<16x1xi32>
    %get3A_11 = arith.constant 0 : index
    %get3A_12 = arith.constant 0 : index
    %get3A_13 = vector.load %arg7[%get3A_11, %get3A_12] : memref<16x8192xi32, #tpu.memory_space<vmem>>, vector<16x8192xi32>
    %eq3A = vector.broadcast %get3A_10 : vector<16x1xi32> to vector<16x8192xi32>
    %eq3A_14 = arith.cmpi eq, %get3A_13, %eq3A : vector<16x8192xi32>
    %get3A_15 = arith.constant 0 : index
    %get3A_16 = arith.constant 0 : index
    %get3A_17 = vector.load %arg0[%get3A_15, %get3A_16] : memref<16x8192xf32, #tpu.memory_space<vmem>>, vector<16x8192xf32>
    %jit3A = arith.constant 0.000000e+00 : f32
    %broadcast_in_dim3A_18 = vector.broadcast %jit3A : f32 to vector<16x8192xf32>
    %select_n3A = arith.select %eq3A_14, %get3A_17, %broadcast_in_dim3A_18 : vector<16x8192xi1>, vector<16x8192xf32>
    %reduce_sum3A = arith.constant dense<0.000000e+00> : vector<16xf32>
    %reduce_sum3A_19 = vector.multi_reduction <add>, %select_n3A, %reduce_sum3A [1] : vector<16x8192xf32> to vector<16xf32>
    %broadcast_in_dim3A_20 = vector.shape_cast %reduce_sum3A_19 : vector<16xf32> to vector<16x1xf32>
    %get3A_21 = arith.constant 0 : index
    %get3A_22 = arith.constant 0 : index
    %get3A_23 = vector.load %arg1[%get3A_21, %get3A_22] : memref<16x8192xf32, #tpu.memory_space<vmem>>, vector<16x8192xf32>
    %jit3A_24 = arith.constant 0.000000e+00 : f32
    %broadcast_in_dim3A_25 = vector.broadcast %jit3A_24 : f32 to vector<16x8192xf32>
    %select_n3A_26 = arith.select %eq3A_14, %get3A_23, %broadcast_in_dim3A_25 : vector<16x8192xi1>, vector<16x8192xf32>
    %reduce_sum3A_27 = arith.constant dense<0.000000e+00> : vector<16xf32>
    %reduce_sum3A_28 = vector.multi_reduction <add>, %select_n3A_26, %reduce_sum3A_27 [1] : vector<16x8192xf32> to vector<16xf32>
    %broadcast_in_dim3A_29 = vector.shape_cast %reduce_sum3A_28 : vector<16xf32> to vector<16x1xf32>
    %get3A_30 = arith.constant 0 : index
    %get3A_31 = arith.constant 0 : index
    %get3A_32 = vector.load %arg2[%get3A_30, %get3A_31] : memref<16x8192xf32, #tpu.memory_space<vmem>>, vector<16x8192xf32>
    %jit3A_33 = arith.constant 0.000000e+00 : f32
    %broadcast_in_dim3A_34 = vector.broadcast %jit3A_33 : f32 to vector<16x8192xf32>
    %select_n3A_35 = arith.select %eq3A_14, %get3A_32, %broadcast_in_dim3A_34 : vector<16x8192xi1>, vector<16x8192xf32>
    %reduce_sum3A_36 = arith.constant dense<0.000000e+00> : vector<16xf32>
    %reduce_sum3A_37 = vector.multi_reduction <add>, %select_n3A_35, %reduce_sum3A_36 [1] : vector<16x8192xf32> to vector<16xf32>
    %broadcast_in_dim3A_38 = vector.shape_cast %reduce_sum3A_37 : vector<16xf32> to vector<16x1xf32>
    %scan3A = arith.constant 0 : i32
    %scan3A_39 = arith.constant 2048 : i32
    %scan3A_40 = arith.addi %scan3A, %scan3A_39 : i32
    %scan3A_41 = arith.constant 1 : i32
    %scan3A_42:4 = scf.for %scan3A_44 = %scan3A to %scan3A_40 step %scan3A_41 iter_args(%scan3A_45 = %get3A_10, %scan3A_46 = %broadcast_in_dim3A_20, %scan3A_47 = %broadcast_in_dim3A_29, %scan3A_48 = %broadcast_in_dim3A_38) -> (vector<16x1xi32>, vector<16x1xf32>, vector<16x1xf32>, vector<16x1xf32>)  : i32 {
      %bitcast_convert_type3A = tpu.bitcast %scan3A_45 : vector<16x1xi32> -> vector<16x1xf32>
      %concatenate3A = tpu.concatenate %scan3A_46, %scan3A_47, %scan3A_48, %bitcast_convert_type3A in 1 : vector<16x1xf32>, vector<16x1xf32>, vector<16x1xf32>, vector<16x1xf32> -> vector<16x4xf32>
      %transpose3A = tpu.transpose %concatenate3A, [1, 0] : vector<16x4xf32> -> vector<4x16xf32>
      %slice3A = vector.extract_strided_slice %transpose3A {offsets = [0, 0], sizes = [3, 16], strides = [1, 1]} : vector<4x16xf32> to vector<3x16xf32>
      %reshape3A = vector.shape_cast %slice3A : vector<3x16xf32> to vector<1x3x16xf32>
      %swap3A_49 = arith.index_cast %scan3A_44 : i32 to index
      %swap3A_50 = arith.constant 0 : index
      %swap3A_51 = arith.constant 0 : index
      %swap3A_52 = vector.load %arg5[%swap3A_49, %swap3A_50, %swap3A_51] : memref<2048x3x16xf32, #tpu.memory_space<vmem>>, vector<1x3x16xf32>
      tpu.vector_store %arg5[%swap3A_49, %swap3A_50, %swap3A_51], %reshape3A {strides = array<i32>} : memref<2048x3x16xf32, #tpu.memory_space<vmem>>, vector<1x3x16xf32>,
      %slice3A_53 = vector.extract_strided_slice %transpose3A {offsets = [3, 0], sizes = [1, 16], strides = [1, 1]} : vector<4x16xf32> to vector<1x16xf32>
      %bitcast_convert_type3A_54 = tpu.bitcast %slice3A_53 : vector<1x16xf32> -> vector<1x16xi32>
      %add3A = arith.addi %bitcast_convert_type3A_54, %mul3A_8 : vector<1x16xi32>
      %reshape3A_55 = vector.shape_cast %add3A : vector<1x16xi32> to vector<1x1x16xi32>
      %swap3A_56 = arith.index_cast %scan3A_44 : i32 to index
      %swap3A_57 = arith.constant 0 : index
      %swap3A_58 = arith.constant 0 : index
      %swap3A_59 = vector.load %arg4[%swap3A_56, %swap3A_57, %swap3A_58] : memref<2048x1x16xi32, #tpu.memory_space<vmem>>, vector<1x1x16xi32>
      tpu.vector_store %arg4[%swap3A_56, %swap3A_57, %swap3A_58], %reshape3A_55 {strides = array<i32>} : memref<2048x1x16xi32, #tpu.memory_space<vmem>>, vector<1x1x16xi32>,
      %broadcast_in_dim3A_60 = arith.constant -1.000000e+00 : f32
      %broadcast_in_dim3A_61 = vector.broadcast %broadcast_in_dim3A_60 : f32 to vector<16x256xf32>
      %broadcast_in_dim3A_62 = arith.constant 0 : i32
      %broadcast_in_dim3A_63 = vector.broadcast %broadcast_in_dim3A_62 : i32 to vector<16x256xi32>
      %broadcast_in_dim3A_64 = arith.constant 0.000000e+00 : f32
      %broadcast_in_dim3A_65 = vector.broadcast %broadcast_in_dim3A_64 : f32 to vector<16x256xf32>
      %broadcast_in_dim3A_66 = arith.constant 0.000000e+00 : f32
      %broadcast_in_dim3A_67 = vector.broadcast %broadcast_in_dim3A_66 : f32 to vector<16x256xf32>
      %broadcast_in_dim3A_68 = arith.constant 0.000000e+00 : f32
      %broadcast_in_dim3A_69 = vector.broadcast %broadcast_in_dim3A_68 : f32 to vector<16x256xf32>
      %get3A_70 = arith.constant 0 : index
      %get3A_71 = arith.constant 0 : index
      %get3A_72 = vector.load %arg0[%get3A_70, %get3A_71] : memref<16x8192xf32, #tpu.memory_space<vmem>>, vector<16x256xf32>
      %get3A_73 = arith.constant 0 : index
      %get3A_74 = arith.constant 0 : index
      %get3A_75 = vector.load %arg1[%get3A_73, %get3A_74] : memref<16x8192xf32, #tpu.memory_space<vmem>>, vector<16x256xf32>
      %get3A_76 = arith.constant 0 : index
      %get3A_77 = arith.constant 0 : index
      %get3A_78 = vector.load %arg2[%get3A_76, %get3A_77] : memref<16x8192xf32, #tpu.memory_space<vmem>>, vector<16x256xf32>
      %sub3A = vector.broadcast %scan3A_46 : vector<16x1xf32> to vector<16x256xf32>
      %sub3A_79 = arith.subf %get3A_72, %sub3A : vector<16x256xf32>
      %sub3A_80 = vector.broadcast %scan3A_47 : vector<16x1xf32> to vector<16x256xf32>
      %sub3A_81 = arith.subf %get3A_75, %sub3A_80 : vector<16x256xf32>
      %sub3A_82 = vector.broadcast %scan3A_48 : vector<16x1xf32> to vector<16x256xf32>
      %sub3A_83 = arith.subf %get3A_78, %sub3A_82 : vector<16x256xf32>
      %get3A_84 = arith.constant 0 : index
      %get3A_85 = arith.constant 0 : index
      %get3A_86 = vector.load %arg6[%get3A_84, %get3A_85] : memref<16x8192xf32, #tpu.memory_space<vmem>>, vector<16x256xf32>
      %mul3A_87 = arith.mulf %sub3A_79, %sub3A_79 : vector<16x256xf32>
      %mul3A_88 = arith.mulf %sub3A_83, %sub3A_83 : vector<16x256xf32>
      %add3A_89 = arith.addf %mul3A_87, %mul3A_88 : vector<16x256xf32>
      %mul3A_90 = arith.mulf %sub3A_81, %sub3A_81 : vector<16x256xf32>
      %add3A_91 = arith.addf %add3A_89, %mul3A_90 : vector<16x256xf32>
      %min3A = arith.minimumf %get3A_86, %add3A_91 : vector<16x256xf32>
      %swap3A_92 = arith.constant 0 : index
      %swap3A_93 = arith.constant 0 : index
      %swap3A_94 = vector.load %arg6[%swap3A_92, %swap3A_93] : memref<16x8192xf32, #tpu.memory_space<vmem>>, vector<16x256xf32>
      tpu.vector_store %arg6[%swap3A_92, %swap3A_93], %min3A {strides = array<i32>} : memref<16x8192xf32, #tpu.memory_space<vmem>>, vector<16x256xf32>,
      %gt3A = arith.cmpf ogt, %min3A, %broadcast_in_dim3A_61 : vector<16x256xf32>
      %select_n3A_95 = arith.select %gt3A, %min3A, %broadcast_in_dim3A_61 : vector<16x256xi1>, vector<16x256xf32>
      %get3A_96 = arith.constant 0 : index
      %get3A_97 = arith.constant 0 : index
      %get3A_98 = vector.load %arg7[%get3A_96, %get3A_97] : memref<16x8192xi32, #tpu.memory_space<vmem>>, vector<16x256xi32>
      %select_n3A_99 = arith.select %gt3A, %get3A_98, %broadcast_in_dim3A_63 : vector<16x256xi1>, vector<16x256xi32>
      %select_n3A_100 = arith.select %gt3A, %get3A_72, %broadcast_in_dim3A_65 : vector<16x256xi1>, vector<16x256xf32>
      %select_n3A_101 = arith.select %gt3A, %get3A_75, %broadcast_in_dim3A_67 : vector<16x256xi1>, vector<16x256xf32>
      %select_n3A_102 = arith.select %gt3A, %get3A_78, %broadcast_in_dim3A_69 : vector<16x256xi1>, vector<16x256xf32>
      %get3A_103 = arith.constant 0 : index
      %get3A_104 = arith.constant 256 : index
      %get3A_105 = vector.load %arg0[%get3A_103, %get3A_104] : memref<16x8192xf32, #tpu.memory_space<vmem>>, vector<16x256xf32>
      %get3A_106 = arith.constant 0 : index
      %get3A_107 = arith.constant 256 : index
      %get3A_108 = vector.load %arg1[%get3A_106, %get3A_107] : memref<16x8192xf32, #tpu.memory_space<vmem>>, vector<16x256xf32>
      %get3A_109 = arith.constant 0 : index
      %get3A_110 = arith.constant 256 : index
      %get3A_111 = vector.load %arg2[%get3A_109, %get3A_110] : memref<16x8192xf32, #tpu.memory_space<vmem>>, vector<16x256xf32>
      %sub3A_112 = vector.broadcast %scan3A_46 : vector<16x1xf32> to vector<16x256xf32>
      %sub3A_113 = arith.subf %get3A_105, %sub3A_112 : vector<16x256xf32>
      %sub3A_114 = vector.broadcast %scan3A_47 : vector<16x1xf32> to vector<16x256xf32>
      %sub3A_115 = arith.subf %get3A_108, %sub3A_114 : vector<16x256xf32>
      %sub3A_116 = vector.broadcast %scan3A_48 : vector<16x1xf32> to vector<16x256xf32>
      %sub3A_117 = arith.subf %get3A_111, %sub3A_116 : vector<16x256xf32>
      %get3A_118 = arith.constant 0 : index
      %get3A_119 = arith.constant 256 : index
      %get3A_120 = vector.load %arg6[%get3A_118, %get3A_119] : memref<16x8192xf32, #tpu.memory_space<vmem>>, vector<16x256xf32>
      %mul3A_121 = arith.mulf %sub3A_113, %sub3A_113 : vector<16x256xf32>
      %mul3A_122 = arith.mulf %sub3A_117, %sub3A_117 : vector<16x256xf32>
      %add3A_123 = arith.addf %mul3A_121, %mul3A_122 : vector<16x256xf32>
      %mul3A_124 = arith.mulf %sub3A_115, %sub3A_115 : vector<16x256xf32>
      %add3A_125 = arith.addf %add3A_123, %mul3A_124 : vector<16x256xf32>
      %min3A_126 = arith.minimumf %get3A_120, %add3A_125 : vector<16x256xf32>
      %swap3A_127 = arith.constant 0 : index
      %swap3A_128 = arith.constant 256 : index
      %swap3A_129 = vector.load %arg6[%swap3A_127, %swap3A_128] : memref<16x8192xf32, #tpu.memory_space<vmem>>, vector<16x256xf32>
      tpu.vector_store %arg6[%swap3A_127, %swap3A_128], %min3A_126 {strides = array<i32>} : memref<16x8192xf32, #tpu.memory_space<vmem>>, vector<16x256xf32>,
      %gt3A_130 = arith.cmpf ogt, %min3A_126, %select_n3A_95 : vector<16x256xf32>
      %select_n3A_131 = arith.select %gt3A_130, %min3A_126, %select_n3A_95 : vector<16x256xi1>, vector<16x256xf32>
      %get3A_132 = arith.constant 0 : index
      %get3A_133 = arith.constant 256 : index
      %get3A_134 = vector.load %arg7[%get3A_132, %get3A_133] : memref<16x8192xi32, #tpu.memory_space<vmem>>, vector<16x256xi32>
      %select_n3A_135 = arith.select %gt3A_130, %get3A_134, %select_n3A_99 : vector<16x256xi1>, vector<16x256xi32>
      %select_n3A_136 = arith.select %gt3A_130, %get3A_105, %select_n3A_100 : vector<16x256xi1>, vector<16x256xf32>
      %select_n3A_137 = arith.select %gt3A_130, %get3A_108, %select_n3A_101 : vector<16x256xi1>, vector<16x256xf32>
      %select_n3A_138 = arith.select %gt3A_130, %get3A_111, %select_n3A_102 : vector<16x256xi1>, vector<16x256xf32>
      %get3A_139 = arith.constant 0 : index
      %get3A_140 = arith.constant 512 : index
      %get3A_141 = vector.load %arg0[%get3A_139, %get3A_140] : memref<16x8192xf32, #tpu.memory_space<vmem>>, vector<16x256xf32>
      %get3A_142 = arith.constant 0 : index
      %get3A_143 = arith.constant 512 : index
      %get3A_144 = vector.load %arg1[%get3A_142, %get3A_143] : memref<16x8192xf32, #tpu.memory_space<vmem>>, vector<16x256xf32>
      %get3A_145 = arith.constant 0 : index
      %get3A_146 = arith.constant 512 : index
      %get3A_147 = vector.load %arg2[%get3A_145, %get3A_146] : memref<16x8192xf32, #tpu.memory_space<vmem>>, vector<16x256xf32>
      %sub3A_148 = vector.broadcast %scan3A_46 : vector<16x1xf32> to vector<16x256xf32>
      %sub3A_149 = arith.subf %get3A_141, %sub3A_148 : vector<16x256xf32>
      %sub3A_150 = vector.broadcast %scan3A_47 : vector<16x1xf32> to vector<16x256xf32>
      %sub3A_151 = arith.subf %get3A_144, %sub3A_150 : vector<16x256xf32>
      %sub3A_152 = vector.broadcast %scan3A_48 : vector<16x1xf32> to vector<16x256xf32>
      %sub3A_153 = arith.subf %get3A_147, %sub3A_152 : vector<16x256xf32>
      %get3A_154 = arith.constant 0 : index
      %get3A_155 = arith.constant 512 : index
      %get3A_156 = vector.load %arg6[%get3A_154, %get3A_155] : memref<16x8192xf32, #tpu.memory_space<vmem>>, vector<16x256xf32>
      %mul3A_157 = arith.mulf %sub3A_149, %sub3A_149 : vector<16x256xf32>
      %mul3A_158 = arith.mulf %sub3A_153, %sub3A_153 : vector<16x256xf32>
      %add3A_159 = arith.addf %mul3A_157, %mul3A_158 : vector<16x256xf32>
      %mul3A_160 = arith.mulf %sub3A_151, %sub3A_151 : vector<16x256xf32>
      %add3A_161 = arith.addf %add3A_159, %mul3A_160 : vector<16x256xf32>
      %min3A_162 = arith.minimumf %get3A_156, %add3A_161 : vector<16x256xf32>
      %swap3A_163 = arith.constant 0 : index
      %swap3A_164 = arith.constant 512 : index
      %swap3A_165 = vector.load %arg6[%swap3A_163, %swap3A_164] : memref<16x8192xf32, #tpu.memory_space<vmem>>, vector<16x256xf32>
      tpu.vector_store %arg6[%swap3A_163, %swap3A_164], %min3A_162 {strides = array<i32>} : memref<16x8192xf32, #tpu.memory_space<vmem>>, vector<16x256xf32>,
      %gt3A_166 = arith.cmpf ogt, %min3A_162, %select_n3A_131 : vector<16x256xf32>
      %select_n3A_167 = arith.select %gt3A_166, %min3A_162, %select_n3A_131 : vector<16x256xi1>, vector<16x256xf32>
      %get3A_168 = arith.constant 0 : index
      %get3A_169 = arith.constant 512 : index
      %get3A_170 = vector.load %arg7[%get3A_168, %get3A_169] : memref<16x8192xi32, #tpu.memory_space<vmem>>, vector<16x256xi32>
      %select_n3A_171 = arith.select %gt3A_166, %get3A_170, %select_n3A_135 : vector<16x256xi1>, vector<16x256xi32>
      %select_n3A_172 = arith.select %gt3A_166, %get3A_141, %select_n3A_136 : vector<16x256xi1>, vector<16x256xf32>
      %select_n3A_173 = arith.select %gt3A_166, %get3A_144, %select_n3A_137 : vector<16x256xi1>, vector<16x256xf32>
      %select_n3A_174 = arith.select %gt3A_166, %get3A_147, %select_n3A_138 : vector<16x256xi1>, vector<16x256xf32>
      %get3A_175 = arith.constant 0 : index
      %get3A_176 = arith.constant 768 : index
      %get3A_177 = vector.load %arg0[%get3A_175, %get3A_176] : memref<16x8192xf32, #tpu.memory_space<vmem>>, vector<16x256xf32>
      %get3A_178 = arith.constant 0 : index
      %get3A_179 = arith.constant 768 : index
      %get3A_180 = vector.load %arg1[%get3A_178, %get3A_179] : memref<16x8192xf32, #tpu.memory_space<vmem>>, vector<16x256xf32>
      %get3A_181 = arith.constant 0 : index
      %get3A_182 = arith.constant 768 : index
      %get3A_183 = vector.load %arg2[%get3A_181, %get3A_182] : memref<16x8192xf32, #tpu.memory_space<vmem>>, vector<16x256xf32>
      %sub3A_184 = vector.broadcast %scan3A_46 : vector<16x1xf32> to vector<16x256xf32>
      %sub3A_185 = arith.subf %get3A_177, %sub3A_184 : vector<16x256xf32>
      %sub3A_186 = vector.broadcast %scan3A_47 : vector<16x1xf32> to vector<16x256xf32>
      %sub3A_187 = arith.subf %get3A_180, %sub3A_186 : vector<16x256xf32>
      %sub3A_188 = vector.broadcast %scan3A_48 : vector<16x1xf32> to vector<16x256xf32>
      %sub3A_189 = arith.subf %get3A_183, %sub3A_188 : vector<16x256xf32>
      %get3A_190 = arith.constant 0 : index
      %get3A_191 = arith.constant 768 : index
      %get3A_192 = vector.load %arg6[%get3A_190, %get3A_191] : memref<16x8192xf32, #tpu.memory_space<vmem>>, vector<16x256xf32>
      %mul3A_193 = arith.mulf %sub3A_185, %sub3A_185 : vector<16x256xf32>
      %mul3A_194 = arith.mulf %sub3A_189, %sub3A_189 : vector<16x256xf32>
      %add3A_195 = arith.addf %mul3A_193, %mul3A_194 : vector<16x256xf32>
      %mul3A_196 = arith.mulf %sub3A_187, %sub3A_187 : vector<16x256xf32>
      %add3A_197 = arith.addf %add3A_195, %mul3A_196 : vector<16x256xf32>
      %min3A_198 = arith.minimumf %get3A_192, %add3A_197 : vector<16x256xf32>
      %swap3A_199 = arith.constant 0 : index
      %swap3A_200 = arith.constant 768 : index
      %swap3A_201 = vector.load %arg6[%swap3A_199, %swap3A_200] : memref<16x8192xf32, #tpu.memory_space<vmem>>, vector<16x256xf32>
      tpu.vector_store %arg6[%swap3A_199, %swap3A_200], %min3A_198 {strides = array<i32>} : memref<16x8192xf32, #tpu.memory_space<vmem>>, vector<16x256xf32>,
      %gt3A_202 = arith.cmpf ogt, %min3A_198, %select_n3A_167 : vector<16x256xf32>
      %select_n3A_203 = arith.select %gt3A_202, %min3A_198, %select_n3A_167 : vector<16x256xi1>, vector<16x256xf32>
      %get3A_204 = arith.constant 0 : index
      %get3A_205 = arith.constant 768 : index
      %get3A_206 = vector.load %arg7[%get3A_204, %get3A_205] : memref<16x8192xi32, #tpu.memory_space<vmem>>, vector<16x256xi32>
      %select_n3A_207 = arith.select %gt3A_202, %get3A_206, %select_n3A_171 : vector<16x256xi1>, vector<16x256xi32>
      %select_n3A_208 = arith.select %gt3A_202, %get3A_177, %select_n3A_172 : vector<16x256xi1>, vector<16x256xf32>
      %select_n3A_209 = arith.select %gt3A_202, %get3A_180, %select_n3A_173 : vector<16x256xi1>, vector<16x256xf32>
      %select_n3A_210 = arith.select %gt3A_202, %get3A_183, %select_n3A_174 : vector<16x256xi1>, vector<16x256xf32>
      %get3A_211 = arith.constant 0 : index
      %get3A_212 = arith.constant 1024 : index
      %get3A_213 = vector.load %arg0[%get3A_211, %get3A_212] : memref<16x8192xf32, #tpu.memory_space<vmem>>, vector<16x256xf32>
      %get3A_214 = arith.constant 0 : index
      %get3A_215 = arith.constant 1024 : index
      %get3A_216 = vector.load %arg1[%get3A_214, %get3A_215] : memref<16x8192xf32, #tpu.memory_space<vmem>>, vector<16x256xf32>
      %get3A_217 = arith.constant 0 : index
      %get3A_218 = arith.constant 1024 : index
      %get3A_219 = vector.load %arg2[%get3A_217, %get3A_218] : memref<16x8192xf32, #tpu.memory_space<vmem>>, vector<16x256xf32>
      %sub3A_220 = vector.broadcast %scan3A_46 : vector<16x1xf32> to vector<16x256xf32>
      %sub3A_221 = arith.subf %get3A_213, %sub3A_220 : vector<16x256xf32>
      %sub3A_222 = vector.broadcast %scan3A_47 : vector<16x1xf32> to vector<16x256xf32>
      %sub3A_223 = arith.subf %get3A_216, %sub3A_222 : vector<16x256xf32>
      %sub3A_224 = vector.broadcast %scan3A_48 : vector<16x1xf32> to vector<16x256xf32>
      %sub3A_225 = arith.subf %get3A_219, %sub3A_224 : vector<16x256xf32>
      %get3A_226 = arith.constant 0 : index
      %get3A_227 = arith.constant 1024 : index
      %get3A_228 = vector.load %arg6[%get3A_226, %get3A_227] : memref<16x8192xf32, #tpu.memory_space<vmem>>, vector<16x256xf32>
      %mul3A_229 = arith.mulf %sub3A_221, %sub3A_221 : vector<16x256xf32>
      %mul3A_230 = arith.mulf %sub3A_225, %sub3A_225 : vector<16x256xf32>
      %add3A_231 = arith.addf %mul3A_229, %mul3A_230 : vector<16x256xf32>
      %mul3A_232 = arith.mulf %sub3A_223, %sub3A_223 : vector<16x256xf32>
      %add3A_233 = arith.addf %add3A_231, %mul3A_232 : vector<16x256xf32>
      %min3A_234 = arith.minimumf %get3A_228, %add3A_233 : vector<16x256xf32>
      %swap3A_235 = arith.constant 0 : index
      %swap3A_236 = arith.constant 1024 : index
      %swap3A_237 = vector.load %arg6[%swap3A_235, %swap3A_236] : memref<16x8192xf32, #tpu.memory_space<vmem>>, vector<16x256xf32>
      tpu.vector_store %arg6[%swap3A_235, %swap3A_236], %min3A_234 {strides = array<i32>} : memref<16x8192xf32, #tpu.memory_space<vmem>>, vector<16x256xf32>,
      %gt3A_238 = arith.cmpf ogt, %min3A_234, %select_n3A_203 : vector<16x256xf32>
      %select_n3A_239 = arith.select %gt3A_238, %min3A_234, %select_n3A_203 : vector<16x256xi1>, vector<16x256xf32>
      %get3A_240 = arith.constant 0 : index
      %get3A_241 = arith.constant 1024 : index
      %get3A_242 = vector.load %arg7[%get3A_240, %get3A_241] : memref<16x8192xi32, #tpu.memory_space<vmem>>, vector<16x256xi32>
      %select_n3A_243 = arith.select %gt3A_238, %get3A_242, %select_n3A_207 : vector<16x256xi1>, vector<16x256xi32>
      %select_n3A_244 = arith.select %gt3A_238, %get3A_213, %select_n3A_208 : vector<16x256xi1>, vector<16x256xf32>
      %select_n3A_245 = arith.select %gt3A_238, %get3A_216, %select_n3A_209 : vector<16x256xi1>, vector<16x256xf32>
      %select_n3A_246 = arith.select %gt3A_238, %get3A_219, %select_n3A_210 : vector<16x256xi1>, vector<16x256xf32>
      %get3A_247 = arith.constant 0 : index
      %get3A_248 = arith.constant 1280 : index
      %get3A_249 = vector.load %arg0[%get3A_247, %get3A_248] : memref<16x8192xf32, #tpu.memory_space<vmem>>, vector<16x256xf32>
      %get3A_250 = arith.constant 0 : index
      %get3A_251 = arith.constant 1280 : index
      %get3A_252 = vector.load %arg1[%get3A_250, %get3A_251] : memref<16x8192xf32, #tpu.memory_space<vmem>>, vector<16x256xf32>
      %get3A_253 = arith.constant 0 : index
      %get3A_254 = arith.constant 1280 : index
      %get3A_255 = vector.load %arg2[%get3A_253, %get3A_254] : memref<16x8192xf32, #tpu.memory_space<vmem>>, vector<16x256xf32>
      %sub3A_256 = vector.broadcast %scan3A_46 : vector<16x1xf32> to vector<16x256xf32>
      %sub3A_257 = arith.subf %get3A_249, %sub3A_256 : vector<16x256xf32>
      %sub3A_258 = vector.broadcast %scan3A_47 : vector<16x1xf32> to vector<16x256xf32>
      %sub3A_259 = arith.subf %get3A_252, %sub3A_258 : vector<16x256xf32>
      %sub3A_260 = vector.broadcast %scan3A_48 : vector<16x1xf32> to vector<16x256xf32>
      %sub3A_261 = arith.subf %get3A_255, %sub3A_260 : vector<16x256xf32>
      %get3A_262 = arith.constant 0 : index
      %get3A_263 = arith.constant 1280 : index
      %get3A_264 = vector.load %arg6[%get3A_262, %get3A_263] : memref<16x8192xf32, #tpu.memory_space<vmem>>, vector<16x256xf32>
      %mul3A_265 = arith.mulf %sub3A_257, %sub3A_257 : vector<16x256xf32>
      %mul3A_266 = arith.mulf %sub3A_261, %sub3A_261 : vector<16x256xf32>
      %add3A_267 = arith.addf %mul3A_265, %mul3A_266 : vector<16x256xf32>
      %mul3A_268 = arith.mulf %sub3A_259, %sub3A_259 : vector<16x256xf32>
      %add3A_269 = arith.addf %add3A_267, %mul3A_268 : vector<16x256xf32>
      %min3A_270 = arith.minimumf %get3A_264, %add3A_269 : vector<16x256xf32>
      %swap3A_271 = arith.constant 0 : index
      %swap3A_272 = arith.constant 1280 : index
      %swap3A_273 = vector.load %arg6[%swap3A_271, %swap3A_272] : memref<16x8192xf32, #tpu.memory_space<vmem>>, vector<16x256xf32>
      tpu.vector_store %arg6[%swap3A_271, %swap3A_272], %min3A_270 {strides = array<i32>} : memref<16x8192xf32, #tpu.memory_space<vmem>>, vector<16x256xf32>,
      %gt3A_274 = arith.cmpf ogt, %min3A_270, %select_n3A_239 : vector<16x256xf32>
      %select_n3A_275 = arith.select %gt3A_274, %min3A_270, %select_n3A_239 : vector<16x256xi1>, vector<16x256xf32>
      %get3A_276 = arith.constant 0 : index
      %get3A_277 = arith.constant 1280 : index
      %get3A_278 = vector.load %arg7[%get3A_276, %get3A_277] : memref<16x8192xi32, #tpu.memory_space<vmem>>, vector<16x256xi32>
      %select_n3A_279 = arith.select %gt3A_274, %get3A_278, %select_n3A_243 : vector<16x256xi1>, vector<16x256xi32>
      %select_n3A_280 = arith.select %gt3A_274, %get3A_249, %select_n3A_244 : vector<16x256xi1>, vector<16x256xf32>
      %select_n3A_281 = arith.select %gt3A_274, %get3A_252, %select_n3A_245 : vector<16x256xi1>, vector<16x256xf32>
      %select_n3A_282 = arith.select %gt3A_274, %get3A_255, %select_n3A_246 : vector<16x256xi1>, vector<16x256xf32>
      %get3A_283 = arith.constant 0 : index
      %get3A_284 = arith.constant 1536 : index
      %get3A_285 = vector.load %arg0[%get3A_283, %get3A_284] : memref<16x8192xf32, #tpu.memory_space<vmem>>, vector<16x256xf32>
      %get3A_286 = arith.constant 0 : index
      %get3A_287 = arith.constant 1536 : index
      %get3A_288 = vector.load %arg1[%get3A_286, %get3A_287] : memref<16x8192xf32, #tpu.memory_space<vmem>>, vector<16x256xf32>
      %get3A_289 = arith.constant 0 : index
      %get3A_290 = arith.constant 1536 : index
      %get3A_291 = vector.load %arg2[%get3A_289, %get3A_290] : memref<16x8192xf32, #tpu.memory_space<vmem>>, vector<16x256xf32>
      %sub3A_292 = vector.broadcast %scan3A_46 : vector<16x1xf32> to vector<16x256xf32>
      %sub3A_293 = arith.subf %get3A_285, %sub3A_292 : vector<16x256xf32>
      %sub3A_294 = vector.broadcast %scan3A_47 : vector<16x1xf32> to vector<16x256xf32>
      %sub3A_295 = arith.subf %get3A_288, %sub3A_294 : vector<16x256xf32>
      %sub3A_296 = vector.broadcast %scan3A_48 : vector<16x1xf32> to vector<16x256xf32>
      %sub3A_297 = arith.subf %get3A_291, %sub3A_296 : vector<16x256xf32>
      %get3A_298 = arith.constant 0 : index
      %get3A_299 = arith.constant 1536 : index
      %get3A_300 = vector.load %arg6[%get3A_298, %get3A_299] : memref<16x8192xf32, #tpu.memory_space<vmem>>, vector<16x256xf32>
      %mul3A_301 = arith.mulf %sub3A_293, %sub3A_293 : vector<16x256xf32>
      %mul3A_302 = arith.mulf %sub3A_297, %sub3A_297 : vector<16x256xf32>
      %add3A_303 = arith.addf %mul3A_301, %mul3A_302 : vector<16x256xf32>
      %mul3A_304 = arith.mulf %sub3A_295, %sub3A_295 : vector<16x256xf32>
      %add3A_305 = arith.addf %add3A_303, %mul3A_304 : vector<16x256xf32>
      %min3A_306 = arith.minimumf %get3A_300, %add3A_305 : vector<16x256xf32>
      %swap3A_307 = arith.constant 0 : index
      %swap3A_308 = arith.constant 1536 : index
      %swap3A_309 = vector.load %arg6[%swap3A_307, %swap3A_308] : memref<16x8192xf32, #tpu.memory_space<vmem>>, vector<16x256xf32>
      tpu.vector_store %arg6[%swap3A_307, %swap3A_308], %min3A_306 {strides = array<i32>} : memref<16x8192xf32, #tpu.memory_space<vmem>>, vector<16x256xf32>,
      %gt3A_310 = arith.cmpf ogt, %min3A_306, %select_n3A_275 : vector<16x256xf32>
      %select_n3A_311 = arith.select %gt3A_310, %min3A_306, %select_n3A_275 : vector<16x256xi1>, vector<16x256xf32>
      %get3A_312 = arith.constant 0 : index
      %get3A_313 = arith.constant 1536 : index
      %get3A_314 = vector.load %arg7[%get3A_312, %get3A_313] : memref<16x8192xi32, #tpu.memory_space<vmem>>, vector<16x256xi32>
      %select_n3A_315 = arith.select %gt3A_310, %get3A_314, %select_n3A_279 : vector<16x256xi1>, vector<16x256xi32>
      %select_n3A_316 = arith.select %gt3A_310, %get3A_285, %select_n3A_280 : vector<16x256xi1>, vector<16x256xf32>
      %select_n3A_317 = arith.select %gt3A_310, %get3A_288, %select_n3A_281 : vector<16x256xi1>, vector<16x256xf32>
      %select_n3A_318 = arith.select %gt3A_310, %get3A_291, %select_n3A_282 : vector<16x256xi1>, vector<16x256xf32>
      %get3A_319 = arith.constant 0 : index
      %get3A_320 = arith.constant 1792 : index
      %get3A_321 = vector.load %arg0[%get3A_319, %get3A_320] : memref<16x8192xf32, #tpu.memory_space<vmem>>, vector<16x256xf32>
      %get3A_322 = arith.constant 0 : index
      %get3A_323 = arith.constant 1792 : index
      %get3A_324 = vector.load %arg1[%get3A_322, %get3A_323] : memref<16x8192xf32, #tpu.memory_space<vmem>>, vector<16x256xf32>
      %get3A_325 = arith.constant 0 : index
      %get3A_326 = arith.constant 1792 : index
      %get3A_327 = vector.load %arg2[%get3A_325, %get3A_326] : memref<16x8192xf32, #tpu.memory_space<vmem>>, vector<16x256xf32>
      %sub3A_328 = vector.broadcast %scan3A_46 : vector<16x1xf32> to vector<16x256xf32>
      %sub3A_329 = arith.subf %get3A_321, %sub3A_328 : vector<16x256xf32>
      %sub3A_330 = vector.broadcast %scan3A_47 : vector<16x1xf32> to vector<16x256xf32>
      %sub3A_331 = arith.subf %get3A_324, %sub3A_330 : vector<16x256xf32>
      %sub3A_332 = vector.broadcast %scan3A_48 : vector<16x1xf32> to vector<16x256xf32>
      %sub3A_333 = arith.subf %get3A_327, %sub3A_332 : vector<16x256xf32>
      %get3A_334 = arith.constant 0 : index
      %get3A_335 = arith.constant 1792 : index
      %get3A_336 = vector.load %arg6[%get3A_334, %get3A_335] : memref<16x8192xf32, #tpu.memory_space<vmem>>, vector<16x256xf32>
      %mul3A_337 = arith.mulf %sub3A_329, %sub3A_329 : vector<16x256xf32>
      %mul3A_338 = arith.mulf %sub3A_333, %sub3A_333 : vector<16x256xf32>
      %add3A_339 = arith.addf %mul3A_337, %mul3A_338 : vector<16x256xf32>
      %mul3A_340 = arith.mulf %sub3A_331, %sub3A_331 : vector<16x256xf32>
      %add3A_341 = arith.addf %add3A_339, %mul3A_340 : vector<16x256xf32>
      %min3A_342 = arith.minimumf %get3A_336, %add3A_341 : vector<16x256xf32>
      %swap3A_343 = arith.constant 0 : index
      %swap3A_344 = arith.constant 1792 : index
      %swap3A_345 = vector.load %arg6[%swap3A_343, %swap3A_344] : memref<16x8192xf32, #tpu.memory_space<vmem>>, vector<16x256xf32>
      tpu.vector_store %arg6[%swap3A_343, %swap3A_344], %min3A_342 {strides = array<i32>} : memref<16x8192xf32, #tpu.memory_space<vmem>>, vector<16x256xf32>,
      %gt3A_346 = arith.cmpf ogt, %min3A_342, %select_n3A_311 : vector<16x256xf32>
      %select_n3A_347 = arith.select %gt3A_346, %min3A_342, %select_n3A_311 : vector<16x256xi1>, vector<16x256xf32>
      %get3A_348 = arith.constant 0 : index
      %get3A_349 = arith.constant 1792 : index
      %get3A_350 = vector.load %arg7[%get3A_348, %get3A_349] : memref<16x8192xi32, #tpu.memory_space<vmem>>, vector<16x256xi32>
      %select_n3A_351 = arith.select %gt3A_346, %get3A_350, %select_n3A_315 : vector<16x256xi1>, vector<16x256xi32>
      %select_n3A_352 = arith.select %gt3A_346, %get3A_321, %select_n3A_316 : vector<16x256xi1>, vector<16x256xf32>
      %select_n3A_353 = arith.select %gt3A_346, %get3A_324, %select_n3A_317 : vector<16x256xi1>, vector<16x256xf32>
      %select_n3A_354 = arith.select %gt3A_346, %get3A_327, %select_n3A_318 : vector<16x256xi1>, vector<16x256xf32>
      %get3A_355 = arith.constant 0 : index
      %get3A_356 = arith.constant 2048 : index
      %get3A_357 = vector.load %arg0[%get3A_355, %get3A_356] : memref<16x8192xf32, #tpu.memory_space<vmem>>, vector<16x256xf32>
      %get3A_358 = arith.constant 0 : index
      %get3A_359 = arith.constant 2048 : index
      %get3A_360 = vector.load %arg1[%get3A_358, %get3A_359] : memref<16x8192xf32, #tpu.memory_space<vmem>>, vector<16x256xf32>
      %get3A_361 = arith.constant 0 : index
      %get3A_362 = arith.constant 2048 : index
      %get3A_363 = vector.load %arg2[%get3A_361, %get3A_362] : memref<16x8192xf32, #tpu.memory_space<vmem>>, vector<16x256xf32>
      %sub3A_364 = vector.broadcast %scan3A_46 : vector<16x1xf32> to vector<16x256xf32>
      %sub3A_365 = arith.subf %get3A_357, %sub3A_364 : vector<16x256xf32>
      %sub3A_366 = vector.broadcast %scan3A_47 : vector<16x1xf32> to vector<16x256xf32>
      %sub3A_367 = arith.subf %get3A_360, %sub3A_366 : vector<16x256xf32>
      %sub3A_368 = vector.broadcast %scan3A_48 : vector<16x1xf32> to vector<16x256xf32>
      %sub3A_369 = arith.subf %get3A_363, %sub3A_368 : vector<16x256xf32>
      %get3A_370 = arith.constant 0 : index
      %get3A_371 = arith.constant 2048 : index
      %get3A_372 = vector.load %arg6[%get3A_370, %get3A_371] : memref<16x8192xf32, #tpu.memory_space<vmem>>, vector<16x256xf32>
      %mul3A_373 = arith.mulf %sub3A_365, %sub3A_365 : vector<16x256xf32>
      %mul3A_374 = arith.mulf %sub3A_369, %sub3A_369 : vector<16x256xf32>
      %add3A_375 = arith.addf %mul3A_373, %mul3A_374 : vector<16x256xf32>
      %mul3A_376 = arith.mulf %sub3A_367, %sub3A_367 : vector<16x256xf32>
      %add3A_377 = arith.addf %add3A_375, %mul3A_376 : vector<16x256xf32>
      %min3A_378 = arith.minimumf %get3A_372, %add3A_377 : vector<16x256xf32>
      %swap3A_379 = arith.constant 0 : index
      %swap3A_380 = arith.constant 2048 : index
      %swap3A_381 = vector.load %arg6[%swap3A_379, %swap3A_380] : memref<16x8192xf32, #tpu.memory_space<vmem>>, vector<16x256xf32>
      tpu.vector_store %arg6[%swap3A_379, %swap3A_380], %min3A_378 {strides = array<i32>} : memref<16x8192xf32, #tpu.memory_space<vmem>>, vector<16x256xf32>,
      %gt3A_382 = arith.cmpf ogt, %min3A_378, %select_n3A_347 : vector<16x256xf32>
      %select_n3A_383 = arith.select %gt3A_382, %min3A_378, %select_n3A_347 : vector<16x256xi1>, vector<16x256xf32>
      %get3A_384 = arith.constant 0 : index
      %get3A_385 = arith.constant 2048 : index
      %get3A_386 = vector.load %arg7[%get3A_384, %get3A_385] : memref<16x8192xi32, #tpu.memory_space<vmem>>, vector<16x256xi32>
      %select_n3A_387 = arith.select %gt3A_382, %get3A_386, %select_n3A_351 : vector<16x256xi1>, vector<16x256xi32>
      %select_n3A_388 = arith.select %gt3A_382, %get3A_357, %select_n3A_352 : vector<16x256xi1>, vector<16x256xf32>
      %select_n3A_389 = arith.select %gt3A_382, %get3A_360, %select_n3A_353 : vector<16x256xi1>, vector<16x256xf32>
      %select_n3A_390 = arith.select %gt3A_382, %get3A_363, %select_n3A_354 : vector<16x256xi1>, vector<16x256xf32>
      %get3A_391 = arith.constant 0 : index
      %get3A_392 = arith.constant 2304 : index
      %get3A_393 = vector.load %arg0[%get3A_391, %get3A_392] : memref<16x8192xf32, #tpu.memory_space<vmem>>, vector<16x256xf32>
      %get3A_394 = arith.constant 0 : index
      %get3A_395 = arith.constant 2304 : index
      %get3A_396 = vector.load %arg1[%get3A_394, %get3A_395] : memref<16x8192xf32, #tpu.memory_space<vmem>>, vector<16x256xf32>
      %get3A_397 = arith.constant 0 : index
      %get3A_398 = arith.constant 2304 : index
      %get3A_399 = vector.load %arg2[%get3A_397, %get3A_398] : memref<16x8192xf32, #tpu.memory_space<vmem>>, vector<16x256xf32>
      %sub3A_400 = vector.broadcast %scan3A_46 : vector<16x1xf32> to vector<16x256xf32>
      %sub3A_401 = arith.subf %get3A_393, %sub3A_400 : vector<16x256xf32>
      %sub3A_402 = vector.broadcast %scan3A_47 : vector<16x1xf32> to vector<16x256xf32>
      %sub3A_403 = arith.subf %get3A_396, %sub3A_402 : vector<16x256xf32>
      %sub3A_404 = vector.broadcast %scan3A_48 : vector<16x1xf32> to vector<16x256xf32>
      %sub3A_405 = arith.subf %get3A_399, %sub3A_404 : vector<16x256xf32>
      %get3A_406 = arith.constant 0 : index
      %get3A_407 = arith.constant 2304 : index
      %get3A_408 = vector.load %arg6[%get3A_406, %get3A_407] : memref<16x8192xf32, #tpu.memory_space<vmem>>, vector<16x256xf32>
      %mul3A_409 = arith.mulf %sub3A_401, %sub3A_401 : vector<16x256xf32>
      %mul3A_410 = arith.mulf %sub3A_405, %sub3A_405 : vector<16x256xf32>
      %add3A_411 = arith.addf %mul3A_409, %mul3A_410 : vector<16x256xf32>
      %mul3A_412 = arith.mulf %sub3A_403, %sub3A_403 : vector<16x256xf32>
      %add3A_413 = arith.addf %add3A_411, %mul3A_412 : vector<16x256xf32>
      %min3A_414 = arith.minimumf %get3A_408, %add3A_413 : vector<16x256xf32>
      %swap3A_415 = arith.constant 0 : index
      %swap3A_416 = arith.constant 2304 : index
      %swap3A_417 = vector.load %arg6[%swap3A_415, %swap3A_416] : memref<16x8192xf32, #tpu.memory_space<vmem>>, vector<16x256xf32>
      tpu.vector_store %arg6[%swap3A_415, %swap3A_416], %min3A_414 {strides = array<i32>} : memref<16x8192xf32, #tpu.memory_space<vmem>>, vector<16x256xf32>,
      %gt3A_418 = arith.cmpf ogt, %min3A_414, %select_n3A_383 : vector<16x256xf32>
      %select_n3A_419 = arith.select %gt3A_418, %min3A_414, %select_n3A_383 : vector<16x256xi1>, vector<16x256xf32>
      %get3A_420 = arith.constant 0 : index
      %get3A_421 = arith.constant 2304 : index
      %get3A_422 = vector.load %arg7[%get3A_420, %get3A_421] : memref<16x8192xi32, #tpu.memory_space<vmem>>, vector<16x256xi32>
      %select_n3A_423 = arith.select %gt3A_418, %get3A_422, %select_n3A_387 : vector<16x256xi1>, vector<16x256xi32>
      %select_n3A_424 = arith.select %gt3A_418, %get3A_393, %select_n3A_388 : vector<16x256xi1>, vector<16x256xf32>
      %select_n3A_425 = arith.select %gt3A_418, %get3A_396, %select_n3A_389 : vector<16x256xi1>, vector<16x256xf32>
      %select_n3A_426 = arith.select %gt3A_418, %get3A_399, %select_n3A_390 : vector<16x256xi1>, vector<16x256xf32>
      %get3A_427 = arith.constant 0 : index
      %get3A_428 = arith.constant 2560 : index
      %get3A_429 = vector.load %arg0[%get3A_427, %get3A_428] : memref<16x8192xf32, #tpu.memory_space<vmem>>, vector<16x256xf32>
      %get3A_430 = arith.constant 0 : index
      %get3A_431 = arith.constant 2560 : index
      %get3A_432 = vector.load %arg1[%get3A_430, %get3A_431] : memref<16x8192xf32, #tpu.memory_space<vmem>>, vector<16x256xf32>
      %get3A_433 = arith.constant 0 : index
      %get3A_434 = arith.constant 2560 : index
      %get3A_435 = vector.load %arg2[%get3A_433, %get3A_434] : memref<16x8192xf32, #tpu.memory_space<vmem>>, vector<16x256xf32>
      %sub3A_436 = vector.broadcast %scan3A_46 : vector<16x1xf32> to vector<16x256xf32>
      %sub3A_437 = arith.subf %get3A_429, %sub3A_436 : vector<16x256xf32>
      %sub3A_438 = vector.broadcast %scan3A_47 : vector<16x1xf32> to vector<16x256xf32>
      %sub3A_439 = arith.subf %get3A_432, %sub3A_438 : vector<16x256xf32>
      %sub3A_440 = vector.broadcast %scan3A_48 : vector<16x1xf32> to vector<16x256xf32>
      %sub3A_441 = arith.subf %get3A_435, %sub3A_440 : vector<16x256xf32>
      %get3A_442 = arith.constant 0 : index
      %get3A_443 = arith.constant 2560 : index
      %get3A_444 = vector.load %arg6[%get3A_442, %get3A_443] : memref<16x8192xf32, #tpu.memory_space<vmem>>, vector<16x256xf32>
      %mul3A_445 = arith.mulf %sub3A_437, %sub3A_437 : vector<16x256xf32>
      %mul3A_446 = arith.mulf %sub3A_441, %sub3A_441 : vector<16x256xf32>
      %add3A_447 = arith.addf %mul3A_445, %mul3A_446 : vector<16x256xf32>
      %mul3A_448 = arith.mulf %sub3A_439, %sub3A_439 : vector<16x256xf32>
      %add3A_449 = arith.addf %add3A_447, %mul3A_448 : vector<16x256xf32>
      %min3A_450 = arith.minimumf %get3A_444, %add3A_449 : vector<16x256xf32>
      %swap3A_451 = arith.constant 0 : index
      %swap3A_452 = arith.constant 2560 : index
      %swap3A_453 = vector.load %arg6[%swap3A_451, %swap3A_452] : memref<16x8192xf32, #tpu.memory_space<vmem>>, vector<16x256xf32>
      tpu.vector_store %arg6[%swap3A_451, %swap3A_452], %min3A_450 {strides = array<i32>} : memref<16x8192xf32, #tpu.memory_space<vmem>>, vector<16x256xf32>,
      %gt3A_454 = arith.cmpf ogt, %min3A_450, %select_n3A_419 : vector<16x256xf32>
      %select_n3A_455 = arith.select %gt3A_454, %min3A_450, %select_n3A_419 : vector<16x256xi1>, vector<16x256xf32>
      %get3A_456 = arith.constant 0 : index
      %get3A_457 = arith.constant 2560 : index
      %get3A_458 = vector.load %arg7[%get3A_456, %get3A_457] : memref<16x8192xi32, #tpu.memory_space<vmem>>, vector<16x256xi32>
      %select_n3A_459 = arith.select %gt3A_454, %get3A_458, %select_n3A_423 : vector<16x256xi1>, vector<16x256xi32>
      %select_n3A_460 = arith.select %gt3A_454, %get3A_429, %select_n3A_424 : vector<16x256xi1>, vector<16x256xf32>
      %select_n3A_461 = arith.select %gt3A_454, %get3A_432, %select_n3A_425 : vector<16x256xi1>, vector<16x256xf32>
      %select_n3A_462 = arith.select %gt3A_454, %get3A_435, %select_n3A_426 : vector<16x256xi1>, vector<16x256xf32>
      %get3A_463 = arith.constant 0 : index
      %get3A_464 = arith.constant 2816 : index
      %get3A_465 = vector.load %arg0[%get3A_463, %get3A_464] : memref<16x8192xf32, #tpu.memory_space<vmem>>, vector<16x256xf32>
      %get3A_466 = arith.constant 0 : index
      %get3A_467 = arith.constant 2816 : index
      %get3A_468 = vector.load %arg1[%get3A_466, %get3A_467] : memref<16x8192xf32, #tpu.memory_space<vmem>>, vector<16x256xf32>
      %get3A_469 = arith.constant 0 : index
      %get3A_470 = arith.constant 2816 : index
      %get3A_471 = vector.load %arg2[%get3A_469, %get3A_470] : memref<16x8192xf32, #tpu.memory_space<vmem>>, vector<16x256xf32>
      %sub3A_472 = vector.broadcast %scan3A_46 : vector<16x1xf32> to vector<16x256xf32>
      %sub3A_473 = arith.subf %get3A_465, %sub3A_472 : vector<16x256xf32>
      %sub3A_474 = vector.broadcast %scan3A_47 : vector<16x1xf32> to vector<16x256xf32>
      %sub3A_475 = arith.subf %get3A_468, %sub3A_474 : vector<16x256xf32>
      %sub3A_476 = vector.broadcast %scan3A_48 : vector<16x1xf32> to vector<16x256xf32>
      %sub3A_477 = arith.subf %get3A_471, %sub3A_476 : vector<16x256xf32>
      %get3A_478 = arith.constant 0 : index
      %get3A_479 = arith.constant 2816 : index
      %get3A_480 = vector.load %arg6[%get3A_478, %get3A_479] : memref<16x8192xf32, #tpu.memory_space<vmem>>, vector<16x256xf32>
      %mul3A_481 = arith.mulf %sub3A_473, %sub3A_473 : vector<16x256xf32>
      %mul3A_482 = arith.mulf %sub3A_477, %sub3A_477 : vector<16x256xf32>
      %add3A_483 = arith.addf %mul3A_481, %mul3A_482 : vector<16x256xf32>
      %mul3A_484 = arith.mulf %sub3A_475, %sub3A_475 : vector<16x256xf32>
      %add3A_485 = arith.addf %add3A_483, %mul3A_484 : vector<16x256xf32>
      %min3A_486 = arith.minimumf %get3A_480, %add3A_485 : vector<16x256xf32>
      %swap3A_487 = arith.constant 0 : index
      %swap3A_488 = arith.constant 2816 : index
      %swap3A_489 = vector.load %arg6[%swap3A_487, %swap3A_488] : memref<16x8192xf32, #tpu.memory_space<vmem>>, vector<16x256xf32>
      tpu.vector_store %arg6[%swap3A_487, %swap3A_488], %min3A_486 {strides = array<i32>} : memref<16x8192xf32, #tpu.memory_space<vmem>>, vector<16x256xf32>,
      %gt3A_490 = arith.cmpf ogt, %min3A_486, %select_n3A_455 : vector<16x256xf32>
      %select_n3A_491 = arith.select %gt3A_490, %min3A_486, %select_n3A_455 : vector<16x256xi1>, vector<16x256xf32>
      %get3A_492 = arith.constant 0 : index
      %get3A_493 = arith.constant 2816 : index
      %get3A_494 = vector.load %arg7[%get3A_492, %get3A_493] : memref<16x8192xi32, #tpu.memory_space<vmem>>, vector<16x256xi32>
      %select_n3A_495 = arith.select %gt3A_490, %get3A_494, %select_n3A_459 : vector<16x256xi1>, vector<16x256xi32>
      %select_n3A_496 = arith.select %gt3A_490, %get3A_465, %select_n3A_460 : vector<16x256xi1>, vector<16x256xf32>
      %select_n3A_497 = arith.select %gt3A_490, %get3A_468, %select_n3A_461 : vector<16x256xi1>, vector<16x256xf32>
      %select_n3A_498 = arith.select %gt3A_490, %get3A_471, %select_n3A_462 : vector<16x256xi1>, vector<16x256xf32>
      %get3A_499 = arith.constant 0 : index
      %get3A_500 = arith.constant 3072 : index
      %get3A_501 = vector.load %arg0[%get3A_499, %get3A_500] : memref<16x8192xf32, #tpu.memory_space<vmem>>, vector<16x256xf32>
      %get3A_502 = arith.constant 0 : index
      %get3A_503 = arith.constant 3072 : index
      %get3A_504 = vector.load %arg1[%get3A_502, %get3A_503] : memref<16x8192xf32, #tpu.memory_space<vmem>>, vector<16x256xf32>
      %get3A_505 = arith.constant 0 : index
      %get3A_506 = arith.constant 3072 : index
      %get3A_507 = vector.load %arg2[%get3A_505, %get3A_506] : memref<16x8192xf32, #tpu.memory_space<vmem>>, vector<16x256xf32>
      %sub3A_508 = vector.broadcast %scan3A_46 : vector<16x1xf32> to vector<16x256xf32>
      %sub3A_509 = arith.subf %get3A_501, %sub3A_508 : vector<16x256xf32>
      %sub3A_510 = vector.broadcast %scan3A_47 : vector<16x1xf32> to vector<16x256xf32>
      %sub3A_511 = arith.subf %get3A_504, %sub3A_510 : vector<16x256xf32>
      %sub3A_512 = vector.broadcast %scan3A_48 : vector<16x1xf32> to vector<16x256xf32>
      %sub3A_513 = arith.subf %get3A_507, %sub3A_512 : vector<16x256xf32>
      %get3A_514 = arith.constant 0 : index
      %get3A_515 = arith.constant 3072 : index
      %get3A_516 = vector.load %arg6[%get3A_514, %get3A_515] : memref<16x8192xf32, #tpu.memory_space<vmem>>, vector<16x256xf32>
      %mul3A_517 = arith.mulf %sub3A_509, %sub3A_509 : vector<16x256xf32>
      %mul3A_518 = arith.mulf %sub3A_513, %sub3A_513 : vector<16x256xf32>
      %add3A_519 = arith.addf %mul3A_517, %mul3A_518 : vector<16x256xf32>
      %mul3A_520 = arith.mulf %sub3A_511, %sub3A_511 : vector<16x256xf32>
      %add3A_521 = arith.addf %add3A_519, %mul3A_520 : vector<16x256xf32>
      %min3A_522 = arith.minimumf %get3A_516, %add3A_521 : vector<16x256xf32>
      %swap3A_523 = arith.constant 0 : index
      %swap3A_524 = arith.constant 3072 : index
      %swap3A_525 = vector.load %arg6[%swap3A_523, %swap3A_524] : memref<16x8192xf32, #tpu.memory_space<vmem>>, vector<16x256xf32>
      tpu.vector_store %arg6[%swap3A_523, %swap3A_524], %min3A_522 {strides = array<i32>} : memref<16x8192xf32, #tpu.memory_space<vmem>>, vector<16x256xf32>,
      %gt3A_526 = arith.cmpf ogt, %min3A_522, %select_n3A_491 : vector<16x256xf32>
      %select_n3A_527 = arith.select %gt3A_526, %min3A_522, %select_n3A_491 : vector<16x256xi1>, vector<16x256xf32>
      %get3A_528 = arith.constant 0 : index
      %get3A_529 = arith.constant 3072 : index
      %get3A_530 = vector.load %arg7[%get3A_528, %get3A_529] : memref<16x8192xi32, #tpu.memory_space<vmem>>, vector<16x256xi32>
      %select_n3A_531 = arith.select %gt3A_526, %get3A_530, %select_n3A_495 : vector<16x256xi1>, vector<16x256xi32>
      %select_n3A_532 = arith.select %gt3A_526, %get3A_501, %select_n3A_496 : vector<16x256xi1>, vector<16x256xf32>
      %select_n3A_533 = arith.select %gt3A_526, %get3A_504, %select_n3A_497 : vector<16x256xi1>, vector<16x256xf32>
      %select_n3A_534 = arith.select %gt3A_526, %get3A_507, %select_n3A_498 : vector<16x256xi1>, vector<16x256xf32>
      %get3A_535 = arith.constant 0 : index
      %get3A_536 = arith.constant 3328 : index
      %get3A_537 = vector.load %arg0[%get3A_535, %get3A_536] : memref<16x8192xf32, #tpu.memory_space<vmem>>, vector<16x256xf32>
      %get3A_538 = arith.constant 0 : index
      %get3A_539 = arith.constant 3328 : index
      %get3A_540 = vector.load %arg1[%get3A_538, %get3A_539] : memref<16x8192xf32, #tpu.memory_space<vmem>>, vector<16x256xf32>
      %get3A_541 = arith.constant 0 : index
      %get3A_542 = arith.constant 3328 : index
      %get3A_543 = vector.load %arg2[%get3A_541, %get3A_542] : memref<16x8192xf32, #tpu.memory_space<vmem>>, vector<16x256xf32>
      %sub3A_544 = vector.broadcast %scan3A_46 : vector<16x1xf32> to vector<16x256xf32>
      %sub3A_545 = arith.subf %get3A_537, %sub3A_544 : vector<16x256xf32>
      %sub3A_546 = vector.broadcast %scan3A_47 : vector<16x1xf32> to vector<16x256xf32>
      %sub3A_547 = arith.subf %get3A_540, %sub3A_546 : vector<16x256xf32>
      %sub3A_548 = vector.broadcast %scan3A_48 : vector<16x1xf32> to vector<16x256xf32>
      %sub3A_549 = arith.subf %get3A_543, %sub3A_548 : vector<16x256xf32>
      %get3A_550 = arith.constant 0 : index
      %get3A_551 = arith.constant 3328 : index
      %get3A_552 = vector.load %arg6[%get3A_550, %get3A_551] : memref<16x8192xf32, #tpu.memory_space<vmem>>, vector<16x256xf32>
      %mul3A_553 = arith.mulf %sub3A_545, %sub3A_545 : vector<16x256xf32>
      %mul3A_554 = arith.mulf %sub3A_549, %sub3A_549 : vector<16x256xf32>
      %add3A_555 = arith.addf %mul3A_553, %mul3A_554 : vector<16x256xf32>
      %mul3A_556 = arith.mulf %sub3A_547, %sub3A_547 : vector<16x256xf32>
      %add3A_557 = arith.addf %add3A_555, %mul3A_556 : vector<16x256xf32>
      %min3A_558 = arith.minimumf %get3A_552, %add3A_557 : vector<16x256xf32>
      %swap3A_559 = arith.constant 0 : index
      %swap3A_560 = arith.constant 3328 : index
      %swap3A_561 = vector.load %arg6[%swap3A_559, %swap3A_560] : memref<16x8192xf32, #tpu.memory_space<vmem>>, vector<16x256xf32>
      tpu.vector_store %arg6[%swap3A_559, %swap3A_560], %min3A_558 {strides = array<i32>} : memref<16x8192xf32, #tpu.memory_space<vmem>>, vector<16x256xf32>,
      %gt3A_562 = arith.cmpf ogt, %min3A_558, %select_n3A_527 : vector<16x256xf32>
      %select_n3A_563 = arith.select %gt3A_562, %min3A_558, %select_n3A_527 : vector<16x256xi1>, vector<16x256xf32>
      %get3A_564 = arith.constant 0 : index
      %get3A_565 = arith.constant 3328 : index
      %get3A_566 = vector.load %arg7[%get3A_564, %get3A_565] : memref<16x8192xi32, #tpu.memory_space<vmem>>, vector<16x256xi32>
      %select_n3A_567 = arith.select %gt3A_562, %get3A_566, %select_n3A_531 : vector<16x256xi1>, vector<16x256xi32>
      %select_n3A_568 = arith.select %gt3A_562, %get3A_537, %select_n3A_532 : vector<16x256xi1>, vector<16x256xf32>
      %select_n3A_569 = arith.select %gt3A_562, %get3A_540, %select_n3A_533 : vector<16x256xi1>, vector<16x256xf32>
      %select_n3A_570 = arith.select %gt3A_562, %get3A_543, %select_n3A_534 : vector<16x256xi1>, vector<16x256xf32>
      %get3A_571 = arith.constant 0 : index
      %get3A_572 = arith.constant 3584 : index
      %get3A_573 = vector.load %arg0[%get3A_571, %get3A_572] : memref<16x8192xf32, #tpu.memory_space<vmem>>, vector<16x256xf32>
      %get3A_574 = arith.constant 0 : index
      %get3A_575 = arith.constant 3584 : index
      %get3A_576 = vector.load %arg1[%get3A_574, %get3A_575] : memref<16x8192xf32, #tpu.memory_space<vmem>>, vector<16x256xf32>
      %get3A_577 = arith.constant 0 : index
      %get3A_578 = arith.constant 3584 : index
      %get3A_579 = vector.load %arg2[%get3A_577, %get3A_578] : memref<16x8192xf32, #tpu.memory_space<vmem>>, vector<16x256xf32>
      %sub3A_580 = vector.broadcast %scan3A_46 : vector<16x1xf32> to vector<16x256xf32>
      %sub3A_581 = arith.subf %get3A_573, %sub3A_580 : vector<16x256xf32>
      %sub3A_582 = vector.broadcast %scan3A_47 : vector<16x1xf32> to vector<16x256xf32>
      %sub3A_583 = arith.subf %get3A_576, %sub3A_582 : vector<16x256xf32>
      %sub3A_584 = vector.broadcast %scan3A_48 : vector<16x1xf32> to vector<16x256xf32>
      %sub3A_585 = arith.subf %get3A_579, %sub3A_584 : vector<16x256xf32>
      %get3A_586 = arith.constant 0 : index
      %get3A_587 = arith.constant 3584 : index
      %get3A_588 = vector.load %arg6[%get3A_586, %get3A_587] : memref<16x8192xf32, #tpu.memory_space<vmem>>, vector<16x256xf32>
      %mul3A_589 = arith.mulf %sub3A_581, %sub3A_581 : vector<16x256xf32>
      %mul3A_590 = arith.mulf %sub3A_585, %sub3A_585 : vector<16x256xf32>
      %add3A_591 = arith.addf %mul3A_589, %mul3A_590 : vector<16x256xf32>
      %mul3A_592 = arith.mulf %sub3A_583, %sub3A_583 : vector<16x256xf32>
      %add3A_593 = arith.addf %add3A_591, %mul3A_592 : vector<16x256xf32>
      %min3A_594 = arith.minimumf %get3A_588, %add3A_593 : vector<16x256xf32>
      %swap3A_595 = arith.constant 0 : index
      %swap3A_596 = arith.constant 3584 : index
      %swap3A_597 = vector.load %arg6[%swap3A_595, %swap3A_596] : memref<16x8192xf32, #tpu.memory_space<vmem>>, vector<16x256xf32>
      tpu.vector_store %arg6[%swap3A_595, %swap3A_596], %min3A_594 {strides = array<i32>} : memref<16x8192xf32, #tpu.memory_space<vmem>>, vector<16x256xf32>,
      %gt3A_598 = arith.cmpf ogt, %min3A_594, %select_n3A_563 : vector<16x256xf32>
      %select_n3A_599 = arith.select %gt3A_598, %min3A_594, %select_n3A_563 : vector<16x256xi1>, vector<16x256xf32>
      %get3A_600 = arith.constant 0 : index
      %get3A_601 = arith.constant 3584 : index
      %get3A_602 = vector.load %arg7[%get3A_600, %get3A_601] : memref<16x8192xi32, #tpu.memory_space<vmem>>, vector<16x256xi32>
      %select_n3A_603 = arith.select %gt3A_598, %get3A_602, %select_n3A_567 : vector<16x256xi1>, vector<16x256xi32>
      %select_n3A_604 = arith.select %gt3A_598, %get3A_573, %select_n3A_568 : vector<16x256xi1>, vector<16x256xf32>
      %select_n3A_605 = arith.select %gt3A_598, %get3A_576, %select_n3A_569 : vector<16x256xi1>, vector<16x256xf32>
      %select_n3A_606 = arith.select %gt3A_598, %get3A_579, %select_n3A_570 : vector<16x256xi1>, vector<16x256xf32>
      %get3A_607 = arith.constant 0 : index
      %get3A_608 = arith.constant 3840 : index
      %get3A_609 = vector.load %arg0[%get3A_607, %get3A_608] : memref<16x8192xf32, #tpu.memory_space<vmem>>, vector<16x256xf32>
      %get3A_610 = arith.constant 0 : index
      %get3A_611 = arith.constant 3840 : index
      %get3A_612 = vector.load %arg1[%get3A_610, %get3A_611] : memref<16x8192xf32, #tpu.memory_space<vmem>>, vector<16x256xf32>
      %get3A_613 = arith.constant 0 : index
      %get3A_614 = arith.constant 3840 : index
      %get3A_615 = vector.load %arg2[%get3A_613, %get3A_614] : memref<16x8192xf32, #tpu.memory_space<vmem>>, vector<16x256xf32>
      %sub3A_616 = vector.broadcast %scan3A_46 : vector<16x1xf32> to vector<16x256xf32>
      %sub3A_617 = arith.subf %get3A_609, %sub3A_616 : vector<16x256xf32>
      %sub3A_618 = vector.broadcast %scan3A_47 : vector<16x1xf32> to vector<16x256xf32>
      %sub3A_619 = arith.subf %get3A_612, %sub3A_618 : vector<16x256xf32>
      %sub3A_620 = vector.broadcast %scan3A_48 : vector<16x1xf32> to vector<16x256xf32>
      %sub3A_621 = arith.subf %get3A_615, %sub3A_620 : vector<16x256xf32>
      %get3A_622 = arith.constant 0 : index
      %get3A_623 = arith.constant 3840 : index
      %get3A_624 = vector.load %arg6[%get3A_622, %get3A_623] : memref<16x8192xf32, #tpu.memory_space<vmem>>, vector<16x256xf32>
      %mul3A_625 = arith.mulf %sub3A_617, %sub3A_617 : vector<16x256xf32>
      %mul3A_626 = arith.mulf %sub3A_621, %sub3A_621 : vector<16x256xf32>
      %add3A_627 = arith.addf %mul3A_625, %mul3A_626 : vector<16x256xf32>
      %mul3A_628 = arith.mulf %sub3A_619, %sub3A_619 : vector<16x256xf32>
      %add3A_629 = arith.addf %add3A_627, %mul3A_628 : vector<16x256xf32>
      %min3A_630 = arith.minimumf %get3A_624, %add3A_629 : vector<16x256xf32>
      %swap3A_631 = arith.constant 0 : index
      %swap3A_632 = arith.constant 3840 : index
      %swap3A_633 = vector.load %arg6[%swap3A_631, %swap3A_632] : memref<16x8192xf32, #tpu.memory_space<vmem>>, vector<16x256xf32>
      tpu.vector_store %arg6[%swap3A_631, %swap3A_632], %min3A_630 {strides = array<i32>} : memref<16x8192xf32, #tpu.memory_space<vmem>>, vector<16x256xf32>,
      %gt3A_634 = arith.cmpf ogt, %min3A_630, %select_n3A_599 : vector<16x256xf32>
      %select_n3A_635 = arith.select %gt3A_634, %min3A_630, %select_n3A_599 : vector<16x256xi1>, vector<16x256xf32>
      %get3A_636 = arith.constant 0 : index
      %get3A_637 = arith.constant 3840 : index
      %get3A_638 = vector.load %arg7[%get3A_636, %get3A_637] : memref<16x8192xi32, #tpu.memory_space<vmem>>, vector<16x256xi32>
      %select_n3A_639 = arith.select %gt3A_634, %get3A_638, %select_n3A_603 : vector<16x256xi1>, vector<16x256xi32>
      %select_n3A_640 = arith.select %gt3A_634, %get3A_609, %select_n3A_604 : vector<16x256xi1>, vector<16x256xf32>
      %select_n3A_641 = arith.select %gt3A_634, %get3A_612, %select_n3A_605 : vector<16x256xi1>, vector<16x256xf32>
      %select_n3A_642 = arith.select %gt3A_634, %get3A_615, %select_n3A_606 : vector<16x256xi1>, vector<16x256xf32>
      %get3A_643 = arith.constant 0 : index
      %get3A_644 = arith.constant 4096 : index
      %get3A_645 = vector.load %arg0[%get3A_643, %get3A_644] : memref<16x8192xf32, #tpu.memory_space<vmem>>, vector<16x256xf32>
      %get3A_646 = arith.constant 0 : index
      %get3A_647 = arith.constant 4096 : index
      %get3A_648 = vector.load %arg1[%get3A_646, %get3A_647] : memref<16x8192xf32, #tpu.memory_space<vmem>>, vector<16x256xf32>
      %get3A_649 = arith.constant 0 : index
      %get3A_650 = arith.constant 4096 : index
      %get3A_651 = vector.load %arg2[%get3A_649, %get3A_650] : memref<16x8192xf32, #tpu.memory_space<vmem>>, vector<16x256xf32>
      %sub3A_652 = vector.broadcast %scan3A_46 : vector<16x1xf32> to vector<16x256xf32>
      %sub3A_653 = arith.subf %get3A_645, %sub3A_652 : vector<16x256xf32>
      %sub3A_654 = vector.broadcast %scan3A_47 : vector<16x1xf32> to vector<16x256xf32>
      %sub3A_655 = arith.subf %get3A_648, %sub3A_654 : vector<16x256xf32>
      %sub3A_656 = vector.broadcast %scan3A_48 : vector<16x1xf32> to vector<16x256xf32>
      %sub3A_657 = arith.subf %get3A_651, %sub3A_656 : vector<16x256xf32>
      %get3A_658 = arith.constant 0 : index
      %get3A_659 = arith.constant 4096 : index
      %get3A_660 = vector.load %arg6[%get3A_658, %get3A_659] : memref<16x8192xf32, #tpu.memory_space<vmem>>, vector<16x256xf32>
      %mul3A_661 = arith.mulf %sub3A_653, %sub3A_653 : vector<16x256xf32>
      %mul3A_662 = arith.mulf %sub3A_657, %sub3A_657 : vector<16x256xf32>
      %add3A_663 = arith.addf %mul3A_661, %mul3A_662 : vector<16x256xf32>
      %mul3A_664 = arith.mulf %sub3A_655, %sub3A_655 : vector<16x256xf32>
      %add3A_665 = arith.addf %add3A_663, %mul3A_664 : vector<16x256xf32>
      %min3A_666 = arith.minimumf %get3A_660, %add3A_665 : vector<16x256xf32>
      %swap3A_667 = arith.constant 0 : index
      %swap3A_668 = arith.constant 4096 : index
      %swap3A_669 = vector.load %arg6[%swap3A_667, %swap3A_668] : memref<16x8192xf32, #tpu.memory_space<vmem>>, vector<16x256xf32>
      tpu.vector_store %arg6[%swap3A_667, %swap3A_668], %min3A_666 {strides = array<i32>} : memref<16x8192xf32, #tpu.memory_space<vmem>>, vector<16x256xf32>,
      %gt3A_670 = arith.cmpf ogt, %min3A_666, %select_n3A_635 : vector<16x256xf32>
      %select_n3A_671 = arith.select %gt3A_670, %min3A_666, %select_n3A_635 : vector<16x256xi1>, vector<16x256xf32>
      %get3A_672 = arith.constant 0 : index
      %get3A_673 = arith.constant 4096 : index
      %get3A_674 = vector.load %arg7[%get3A_672, %get3A_673] : memref<16x8192xi32, #tpu.memory_space<vmem>>, vector<16x256xi32>
      %select_n3A_675 = arith.select %gt3A_670, %get3A_674, %select_n3A_639 : vector<16x256xi1>, vector<16x256xi32>
      %select_n3A_676 = arith.select %gt3A_670, %get3A_645, %select_n3A_640 : vector<16x256xi1>, vector<16x256xf32>
      %select_n3A_677 = arith.select %gt3A_670, %get3A_648, %select_n3A_641 : vector<16x256xi1>, vector<16x256xf32>
      %select_n3A_678 = arith.select %gt3A_670, %get3A_651, %select_n3A_642 : vector<16x256xi1>, vector<16x256xf32>
      %get3A_679 = arith.constant 0 : index
      %get3A_680 = arith.constant 4352 : index
      %get3A_681 = vector.load %arg0[%get3A_679, %get3A_680] : memref<16x8192xf32, #tpu.memory_space<vmem>>, vector<16x256xf32>
      %get3A_682 = arith.constant 0 : index
      %get3A_683 = arith.constant 4352 : index
      %get3A_684 = vector.load %arg1[%get3A_682, %get3A_683] : memref<16x8192xf32, #tpu.memory_space<vmem>>, vector<16x256xf32>
      %get3A_685 = arith.constant 0 : index
      %get3A_686 = arith.constant 4352 : index
      %get3A_687 = vector.load %arg2[%get3A_685, %get3A_686] : memref<16x8192xf32, #tpu.memory_space<vmem>>, vector<16x256xf32>
      %sub3A_688 = vector.broadcast %scan3A_46 : vector<16x1xf32> to vector<16x256xf32>
      %sub3A_689 = arith.subf %get3A_681, %sub3A_688 : vector<16x256xf32>
      %sub3A_690 = vector.broadcast %scan3A_47 : vector<16x1xf32> to vector<16x256xf32>
      %sub3A_691 = arith.subf %get3A_684, %sub3A_690 : vector<16x256xf32>
      %sub3A_692 = vector.broadcast %scan3A_48 : vector<16x1xf32> to vector<16x256xf32>
      %sub3A_693 = arith.subf %get3A_687, %sub3A_692 : vector<16x256xf32>
      %get3A_694 = arith.constant 0 : index
      %get3A_695 = arith.constant 4352 : index
      %get3A_696 = vector.load %arg6[%get3A_694, %get3A_695] : memref<16x8192xf32, #tpu.memory_space<vmem>>, vector<16x256xf32>
      %mul3A_697 = arith.mulf %sub3A_689, %sub3A_689 : vector<16x256xf32>
      %mul3A_698 = arith.mulf %sub3A_693, %sub3A_693 : vector<16x256xf32>
      %add3A_699 = arith.addf %mul3A_697, %mul3A_698 : vector<16x256xf32>
      %mul3A_700 = arith.mulf %sub3A_691, %sub3A_691 : vector<16x256xf32>
      %add3A_701 = arith.addf %add3A_699, %mul3A_700 : vector<16x256xf32>
      %min3A_702 = arith.minimumf %get3A_696, %add3A_701 : vector<16x256xf32>
      %swap3A_703 = arith.constant 0 : index
      %swap3A_704 = arith.constant 4352 : index
      %swap3A_705 = vector.load %arg6[%swap3A_703, %swap3A_704] : memref<16x8192xf32, #tpu.memory_space<vmem>>, vector<16x256xf32>
      tpu.vector_store %arg6[%swap3A_703, %swap3A_704], %min3A_702 {strides = array<i32>} : memref<16x8192xf32, #tpu.memory_space<vmem>>, vector<16x256xf32>,
      %gt3A_706 = arith.cmpf ogt, %min3A_702, %select_n3A_671 : vector<16x256xf32>
      %select_n3A_707 = arith.select %gt3A_706, %min3A_702, %select_n3A_671 : vector<16x256xi1>, vector<16x256xf32>
      %get3A_708 = arith.constant 0 : index
      %get3A_709 = arith.constant 4352 : index
      %get3A_710 = vector.load %arg7[%get3A_708, %get3A_709] : memref<16x8192xi32, #tpu.memory_space<vmem>>, vector<16x256xi32>
      %select_n3A_711 = arith.select %gt3A_706, %get3A_710, %select_n3A_675 : vector<16x256xi1>, vector<16x256xi32>
      %select_n3A_712 = arith.select %gt3A_706, %get3A_681, %select_n3A_676 : vector<16x256xi1>, vector<16x256xf32>
      %select_n3A_713 = arith.select %gt3A_706, %get3A_684, %select_n3A_677 : vector<16x256xi1>, vector<16x256xf32>
      %select_n3A_714 = arith.select %gt3A_706, %get3A_687, %select_n3A_678 : vector<16x256xi1>, vector<16x256xf32>
      %get3A_715 = arith.constant 0 : index
      %get3A_716 = arith.constant 4608 : index
      %get3A_717 = vector.load %arg0[%get3A_715, %get3A_716] : memref<16x8192xf32, #tpu.memory_space<vmem>>, vector<16x256xf32>
      %get3A_718 = arith.constant 0 : index
      %get3A_719 = arith.constant 4608 : index
      %get3A_720 = vector.load %arg1[%get3A_718, %get3A_719] : memref<16x8192xf32, #tpu.memory_space<vmem>>, vector<16x256xf32>
      %get3A_721 = arith.constant 0 : index
      %get3A_722 = arith.constant 4608 : index
      %get3A_723 = vector.load %arg2[%get3A_721, %get3A_722] : memref<16x8192xf32, #tpu.memory_space<vmem>>, vector<16x256xf32>
      %sub3A_724 = vector.broadcast %scan3A_46 : vector<16x1xf32> to vector<16x256xf32>
      %sub3A_725 = arith.subf %get3A_717, %sub3A_724 : vector<16x256xf32>
      %sub3A_726 = vector.broadcast %scan3A_47 : vector<16x1xf32> to vector<16x256xf32>
      %sub3A_727 = arith.subf %get3A_720, %sub3A_726 : vector<16x256xf32>
      %sub3A_728 = vector.broadcast %scan3A_48 : vector<16x1xf32> to vector<16x256xf32>
      %sub3A_729 = arith.subf %get3A_723, %sub3A_728 : vector<16x256xf32>
      %get3A_730 = arith.constant 0 : index
      %get3A_731 = arith.constant 4608 : index
      %get3A_732 = vector.load %arg6[%get3A_730, %get3A_731] : memref<16x8192xf32, #tpu.memory_space<vmem>>, vector<16x256xf32>
      %mul3A_733 = arith.mulf %sub3A_725, %sub3A_725 : vector<16x256xf32>
      %mul3A_734 = arith.mulf %sub3A_729, %sub3A_729 : vector<16x256xf32>
      %add3A_735 = arith.addf %mul3A_733, %mul3A_734 : vector<16x256xf32>
      %mul3A_736 = arith.mulf %sub3A_727, %sub3A_727 : vector<16x256xf32>
      %add3A_737 = arith.addf %add3A_735, %mul3A_736 : vector<16x256xf32>
      %min3A_738 = arith.minimumf %get3A_732, %add3A_737 : vector<16x256xf32>
      %swap3A_739 = arith.constant 0 : index
      %swap3A_740 = arith.constant 4608 : index
      %swap3A_741 = vector.load %arg6[%swap3A_739, %swap3A_740] : memref<16x8192xf32, #tpu.memory_space<vmem>>, vector<16x256xf32>
      tpu.vector_store %arg6[%swap3A_739, %swap3A_740], %min3A_738 {strides = array<i32>} : memref<16x8192xf32, #tpu.memory_space<vmem>>, vector<16x256xf32>,
      %gt3A_742 = arith.cmpf ogt, %min3A_738, %select_n3A_707 : vector<16x256xf32>
      %select_n3A_743 = arith.select %gt3A_742, %min3A_738, %select_n3A_707 : vector<16x256xi1>, vector<16x256xf32>
      %get3A_744 = arith.constant 0 : index
      %get3A_745 = arith.constant 4608 : index
      %get3A_746 = vector.load %arg7[%get3A_744, %get3A_745] : memref<16x8192xi32, #tpu.memory_space<vmem>>, vector<16x256xi32>
      %select_n3A_747 = arith.select %gt3A_742, %get3A_746, %select_n3A_711 : vector<16x256xi1>, vector<16x256xi32>
      %select_n3A_748 = arith.select %gt3A_742, %get3A_717, %select_n3A_712 : vector<16x256xi1>, vector<16x256xf32>
      %select_n3A_749 = arith.select %gt3A_742, %get3A_720, %select_n3A_713 : vector<16x256xi1>, vector<16x256xf32>
      %select_n3A_750 = arith.select %gt3A_742, %get3A_723, %select_n3A_714 : vector<16x256xi1>, vector<16x256xf32>
      %get3A_751 = arith.constant 0 : index
      %get3A_752 = arith.constant 4864 : index
      %get3A_753 = vector.load %arg0[%get3A_751, %get3A_752] : memref<16x8192xf32, #tpu.memory_space<vmem>>, vector<16x256xf32>
      %get3A_754 = arith.constant 0 : index
      %get3A_755 = arith.constant 4864 : index
      %get3A_756 = vector.load %arg1[%get3A_754, %get3A_755] : memref<16x8192xf32, #tpu.memory_space<vmem>>, vector<16x256xf32>
      %get3A_757 = arith.constant 0 : index
      %get3A_758 = arith.constant 4864 : index
      %get3A_759 = vector.load %arg2[%get3A_757, %get3A_758] : memref<16x8192xf32, #tpu.memory_space<vmem>>, vector<16x256xf32>
      %sub3A_760 = vector.broadcast %scan3A_46 : vector<16x1xf32> to vector<16x256xf32>
      %sub3A_761 = arith.subf %get3A_753, %sub3A_760 : vector<16x256xf32>
      %sub3A_762 = vector.broadcast %scan3A_47 : vector<16x1xf32> to vector<16x256xf32>
      %sub3A_763 = arith.subf %get3A_756, %sub3A_762 : vector<16x256xf32>
      %sub3A_764 = vector.broadcast %scan3A_48 : vector<16x1xf32> to vector<16x256xf32>
      %sub3A_765 = arith.subf %get3A_759, %sub3A_764 : vector<16x256xf32>
      %get3A_766 = arith.constant 0 : index
      %get3A_767 = arith.constant 4864 : index
      %get3A_768 = vector.load %arg6[%get3A_766, %get3A_767] : memref<16x8192xf32, #tpu.memory_space<vmem>>, vector<16x256xf32>
      %mul3A_769 = arith.mulf %sub3A_761, %sub3A_761 : vector<16x256xf32>
      %mul3A_770 = arith.mulf %sub3A_765, %sub3A_765 : vector<16x256xf32>
      %add3A_771 = arith.addf %mul3A_769, %mul3A_770 : vector<16x256xf32>
      %mul3A_772 = arith.mulf %sub3A_763, %sub3A_763 : vector<16x256xf32>
      %add3A_773 = arith.addf %add3A_771, %mul3A_772 : vector<16x256xf32>
      %min3A_774 = arith.minimumf %get3A_768, %add3A_773 : vector<16x256xf32>
      %swap3A_775 = arith.constant 0 : index
      %swap3A_776 = arith.constant 4864 : index
      %swap3A_777 = vector.load %arg6[%swap3A_775, %swap3A_776] : memref<16x8192xf32, #tpu.memory_space<vmem>>, vector<16x256xf32>
      tpu.vector_store %arg6[%swap3A_775, %swap3A_776], %min3A_774 {strides = array<i32>} : memref<16x8192xf32, #tpu.memory_space<vmem>>, vector<16x256xf32>,
      %gt3A_778 = arith.cmpf ogt, %min3A_774, %select_n3A_743 : vector<16x256xf32>
      %select_n3A_779 = arith.select %gt3A_778, %min3A_774, %select_n3A_743 : vector<16x256xi1>, vector<16x256xf32>
      %get3A_780 = arith.constant 0 : index
      %get3A_781 = arith.constant 4864 : index
      %get3A_782 = vector.load %arg7[%get3A_780, %get3A_781] : memref<16x8192xi32, #tpu.memory_space<vmem>>, vector<16x256xi32>
      %select_n3A_783 = arith.select %gt3A_778, %get3A_782, %select_n3A_747 : vector<16x256xi1>, vector<16x256xi32>
      %select_n3A_784 = arith.select %gt3A_778, %get3A_753, %select_n3A_748 : vector<16x256xi1>, vector<16x256xf32>
      %select_n3A_785 = arith.select %gt3A_778, %get3A_756, %select_n3A_749 : vector<16x256xi1>, vector<16x256xf32>
      %select_n3A_786 = arith.select %gt3A_778, %get3A_759, %select_n3A_750 : vector<16x256xi1>, vector<16x256xf32>
      %get3A_787 = arith.constant 0 : index
      %get3A_788 = arith.constant 5120 : index
      %get3A_789 = vector.load %arg0[%get3A_787, %get3A_788] : memref<16x8192xf32, #tpu.memory_space<vmem>>, vector<16x256xf32>
      %get3A_790 = arith.constant 0 : index
      %get3A_791 = arith.constant 5120 : index
      %get3A_792 = vector.load %arg1[%get3A_790, %get3A_791] : memref<16x8192xf32, #tpu.memory_space<vmem>>, vector<16x256xf32>
      %get3A_793 = arith.constant 0 : index
      %get3A_794 = arith.constant 5120 : index
      %get3A_795 = vector.load %arg2[%get3A_793, %get3A_794] : memref<16x8192xf32, #tpu.memory_space<vmem>>, vector<16x256xf32>
      %sub3A_796 = vector.broadcast %scan3A_46 : vector<16x1xf32> to vector<16x256xf32>
      %sub3A_797 = arith.subf %get3A_789, %sub3A_796 : vector<16x256xf32>
      %sub3A_798 = vector.broadcast %scan3A_47 : vector<16x1xf32> to vector<16x256xf32>
      %sub3A_799 = arith.subf %get3A_792, %sub3A_798 : vector<16x256xf32>
      %sub3A_800 = vector.broadcast %scan3A_48 : vector<16x1xf32> to vector<16x256xf32>
      %sub3A_801 = arith.subf %get3A_795, %sub3A_800 : vector<16x256xf32>
      %get3A_802 = arith.constant 0 : index
      %get3A_803 = arith.constant 5120 : index
      %get3A_804 = vector.load %arg6[%get3A_802, %get3A_803] : memref<16x8192xf32, #tpu.memory_space<vmem>>, vector<16x256xf32>
      %mul3A_805 = arith.mulf %sub3A_797, %sub3A_797 : vector<16x256xf32>
      %mul3A_806 = arith.mulf %sub3A_801, %sub3A_801 : vector<16x256xf32>
      %add3A_807 = arith.addf %mul3A_805, %mul3A_806 : vector<16x256xf32>
      %mul3A_808 = arith.mulf %sub3A_799, %sub3A_799 : vector<16x256xf32>
      %add3A_809 = arith.addf %add3A_807, %mul3A_808 : vector<16x256xf32>
      %min3A_810 = arith.minimumf %get3A_804, %add3A_809 : vector<16x256xf32>
      %swap3A_811 = arith.constant 0 : index
      %swap3A_812 = arith.constant 5120 : index
      %swap3A_813 = vector.load %arg6[%swap3A_811, %swap3A_812] : memref<16x8192xf32, #tpu.memory_space<vmem>>, vector<16x256xf32>
      tpu.vector_store %arg6[%swap3A_811, %swap3A_812], %min3A_810 {strides = array<i32>} : memref<16x8192xf32, #tpu.memory_space<vmem>>, vector<16x256xf32>,
      %gt3A_814 = arith.cmpf ogt, %min3A_810, %select_n3A_779 : vector<16x256xf32>
      %select_n3A_815 = arith.select %gt3A_814, %min3A_810, %select_n3A_779 : vector<16x256xi1>, vector<16x256xf32>
      %get3A_816 = arith.constant 0 : index
      %get3A_817 = arith.constant 5120 : index
      %get3A_818 = vector.load %arg7[%get3A_816, %get3A_817] : memref<16x8192xi32, #tpu.memory_space<vmem>>, vector<16x256xi32>
      %select_n3A_819 = arith.select %gt3A_814, %get3A_818, %select_n3A_783 : vector<16x256xi1>, vector<16x256xi32>
      %select_n3A_820 = arith.select %gt3A_814, %get3A_789, %select_n3A_784 : vector<16x256xi1>, vector<16x256xf32>
      %select_n3A_821 = arith.select %gt3A_814, %get3A_792, %select_n3A_785 : vector<16x256xi1>, vector<16x256xf32>
      %select_n3A_822 = arith.select %gt3A_814, %get3A_795, %select_n3A_786 : vector<16x256xi1>, vector<16x256xf32>
      %get3A_823 = arith.constant 0 : index
      %get3A_824 = arith.constant 5376 : index
      %get3A_825 = vector.load %arg0[%get3A_823, %get3A_824] : memref<16x8192xf32, #tpu.memory_space<vmem>>, vector<16x256xf32>
      %get3A_826 = arith.constant 0 : index
      %get3A_827 = arith.constant 5376 : index
      %get3A_828 = vector.load %arg1[%get3A_826, %get3A_827] : memref<16x8192xf32, #tpu.memory_space<vmem>>, vector<16x256xf32>
      %get3A_829 = arith.constant 0 : index
      %get3A_830 = arith.constant 5376 : index
      %get3A_831 = vector.load %arg2[%get3A_829, %get3A_830] : memref<16x8192xf32, #tpu.memory_space<vmem>>, vector<16x256xf32>
      %sub3A_832 = vector.broadcast %scan3A_46 : vector<16x1xf32> to vector<16x256xf32>
      %sub3A_833 = arith.subf %get3A_825, %sub3A_832 : vector<16x256xf32>
      %sub3A_834 = vector.broadcast %scan3A_47 : vector<16x1xf32> to vector<16x256xf32>
      %sub3A_835 = arith.subf %get3A_828, %sub3A_834 : vector<16x256xf32>
      %sub3A_836 = vector.broadcast %scan3A_48 : vector<16x1xf32> to vector<16x256xf32>
      %sub3A_837 = arith.subf %get3A_831, %sub3A_836 : vector<16x256xf32>
      %get3A_838 = arith.constant 0 : index
      %get3A_839 = arith.constant 5376 : index
      %get3A_840 = vector.load %arg6[%get3A_838, %get3A_839] : memref<16x8192xf32, #tpu.memory_space<vmem>>, vector<16x256xf32>
      %mul3A_841 = arith.mulf %sub3A_833, %sub3A_833 : vector<16x256xf32>
      %mul3A_842 = arith.mulf %sub3A_837, %sub3A_837 : vector<16x256xf32>
      %add3A_843 = arith.addf %mul3A_841, %mul3A_842 : vector<16x256xf32>
      %mul3A_844 = arith.mulf %sub3A_835, %sub3A_835 : vector<16x256xf32>
      %add3A_845 = arith.addf %add3A_843, %mul3A_844 : vector<16x256xf32>
      %min3A_846 = arith.minimumf %get3A_840, %add3A_845 : vector<16x256xf32>
      %swap3A_847 = arith.constant 0 : index
      %swap3A_848 = arith.constant 5376 : index
      %swap3A_849 = vector.load %arg6[%swap3A_847, %swap3A_848] : memref<16x8192xf32, #tpu.memory_space<vmem>>, vector<16x256xf32>
      tpu.vector_store %arg6[%swap3A_847, %swap3A_848], %min3A_846 {strides = array<i32>} : memref<16x8192xf32, #tpu.memory_space<vmem>>, vector<16x256xf32>,
      %gt3A_850 = arith.cmpf ogt, %min3A_846, %select_n3A_815 : vector<16x256xf32>
      %select_n3A_851 = arith.select %gt3A_850, %min3A_846, %select_n3A_815 : vector<16x256xi1>, vector<16x256xf32>
      %get3A_852 = arith.constant 0 : index
      %get3A_853 = arith.constant 5376 : index
      %get3A_854 = vector.load %arg7[%get3A_852, %get3A_853] : memref<16x8192xi32, #tpu.memory_space<vmem>>, vector<16x256xi32>
      %select_n3A_855 = arith.select %gt3A_850, %get3A_854, %select_n3A_819 : vector<16x256xi1>, vector<16x256xi32>
      %select_n3A_856 = arith.select %gt3A_850, %get3A_825, %select_n3A_820 : vector<16x256xi1>, vector<16x256xf32>
      %select_n3A_857 = arith.select %gt3A_850, %get3A_828, %select_n3A_821 : vector<16x256xi1>, vector<16x256xf32>
      %select_n3A_858 = arith.select %gt3A_850, %get3A_831, %select_n3A_822 : vector<16x256xi1>, vector<16x256xf32>
      %get3A_859 = arith.constant 0 : index
      %get3A_860 = arith.constant 5632 : index
      %get3A_861 = vector.load %arg0[%get3A_859, %get3A_860] : memref<16x8192xf32, #tpu.memory_space<vmem>>, vector<16x256xf32>
      %get3A_862 = arith.constant 0 : index
      %get3A_863 = arith.constant 5632 : index
      %get3A_864 = vector.load %arg1[%get3A_862, %get3A_863] : memref<16x8192xf32, #tpu.memory_space<vmem>>, vector<16x256xf32>
      %get3A_865 = arith.constant 0 : index
      %get3A_866 = arith.constant 5632 : index
      %get3A_867 = vector.load %arg2[%get3A_865, %get3A_866] : memref<16x8192xf32, #tpu.memory_space<vmem>>, vector<16x256xf32>
      %sub3A_868 = vector.broadcast %scan3A_46 : vector<16x1xf32> to vector<16x256xf32>
      %sub3A_869 = arith.subf %get3A_861, %sub3A_868 : vector<16x256xf32>
      %sub3A_870 = vector.broadcast %scan3A_47 : vector<16x1xf32> to vector<16x256xf32>
      %sub3A_871 = arith.subf %get3A_864, %sub3A_870 : vector<16x256xf32>
      %sub3A_872 = vector.broadcast %scan3A_48 : vector<16x1xf32> to vector<16x256xf32>
      %sub3A_873 = arith.subf %get3A_867, %sub3A_872 : vector<16x256xf32>
      %get3A_874 = arith.constant 0 : index
      %get3A_875 = arith.constant 5632 : index
      %get3A_876 = vector.load %arg6[%get3A_874, %get3A_875] : memref<16x8192xf32, #tpu.memory_space<vmem>>, vector<16x256xf32>
      %mul3A_877 = arith.mulf %sub3A_869, %sub3A_869 : vector<16x256xf32>
      %mul3A_878 = arith.mulf %sub3A_873, %sub3A_873 : vector<16x256xf32>
      %add3A_879 = arith.addf %mul3A_877, %mul3A_878 : vector<16x256xf32>
      %mul3A_880 = arith.mulf %sub3A_871, %sub3A_871 : vector<16x256xf32>
      %add3A_881 = arith.addf %add3A_879, %mul3A_880 : vector<16x256xf32>
      %min3A_882 = arith.minimumf %get3A_876, %add3A_881 : vector<16x256xf32>
      %swap3A_883 = arith.constant 0 : index
      %swap3A_884 = arith.constant 5632 : index
      %swap3A_885 = vector.load %arg6[%swap3A_883, %swap3A_884] : memref<16x8192xf32, #tpu.memory_space<vmem>>, vector<16x256xf32>
      tpu.vector_store %arg6[%swap3A_883, %swap3A_884], %min3A_882 {strides = array<i32>} : memref<16x8192xf32, #tpu.memory_space<vmem>>, vector<16x256xf32>,
      %gt3A_886 = arith.cmpf ogt, %min3A_882, %select_n3A_851 : vector<16x256xf32>
      %select_n3A_887 = arith.select %gt3A_886, %min3A_882, %select_n3A_851 : vector<16x256xi1>, vector<16x256xf32>
      %get3A_888 = arith.constant 0 : index
      %get3A_889 = arith.constant 5632 : index
      %get3A_890 = vector.load %arg7[%get3A_888, %get3A_889] : memref<16x8192xi32, #tpu.memory_space<vmem>>, vector<16x256xi32>
      %select_n3A_891 = arith.select %gt3A_886, %get3A_890, %select_n3A_855 : vector<16x256xi1>, vector<16x256xi32>
      %select_n3A_892 = arith.select %gt3A_886, %get3A_861, %select_n3A_856 : vector<16x256xi1>, vector<16x256xf32>
      %select_n3A_893 = arith.select %gt3A_886, %get3A_864, %select_n3A_857 : vector<16x256xi1>, vector<16x256xf32>
      %select_n3A_894 = arith.select %gt3A_886, %get3A_867, %select_n3A_858 : vector<16x256xi1>, vector<16x256xf32>
      %get3A_895 = arith.constant 0 : index
      %get3A_896 = arith.constant 5888 : index
      %get3A_897 = vector.load %arg0[%get3A_895, %get3A_896] : memref<16x8192xf32, #tpu.memory_space<vmem>>, vector<16x256xf32>
      %get3A_898 = arith.constant 0 : index
      %get3A_899 = arith.constant 5888 : index
      %get3A_900 = vector.load %arg1[%get3A_898, %get3A_899] : memref<16x8192xf32, #tpu.memory_space<vmem>>, vector<16x256xf32>
      %get3A_901 = arith.constant 0 : index
      %get3A_902 = arith.constant 5888 : index
      %get3A_903 = vector.load %arg2[%get3A_901, %get3A_902] : memref<16x8192xf32, #tpu.memory_space<vmem>>, vector<16x256xf32>
      %sub3A_904 = vector.broadcast %scan3A_46 : vector<16x1xf32> to vector<16x256xf32>
      %sub3A_905 = arith.subf %get3A_897, %sub3A_904 : vector<16x256xf32>
      %sub3A_906 = vector.broadcast %scan3A_47 : vector<16x1xf32> to vector<16x256xf32>
      %sub3A_907 = arith.subf %get3A_900, %sub3A_906 : vector<16x256xf32>
      %sub3A_908 = vector.broadcast %scan3A_48 : vector<16x1xf32> to vector<16x256xf32>
      %sub3A_909 = arith.subf %get3A_903, %sub3A_908 : vector<16x256xf32>
      %get3A_910 = arith.constant 0 : index
      %get3A_911 = arith.constant 5888 : index
      %get3A_912 = vector.load %arg6[%get3A_910, %get3A_911] : memref<16x8192xf32, #tpu.memory_space<vmem>>, vector<16x256xf32>
      %mul3A_913 = arith.mulf %sub3A_905, %sub3A_905 : vector<16x256xf32>
      %mul3A_914 = arith.mulf %sub3A_909, %sub3A_909 : vector<16x256xf32>
      %add3A_915 = arith.addf %mul3A_913, %mul3A_914 : vector<16x256xf32>
      %mul3A_916 = arith.mulf %sub3A_907, %sub3A_907 : vector<16x256xf32>
      %add3A_917 = arith.addf %add3A_915, %mul3A_916 : vector<16x256xf32>
      %min3A_918 = arith.minimumf %get3A_912, %add3A_917 : vector<16x256xf32>
      %swap3A_919 = arith.constant 0 : index
      %swap3A_920 = arith.constant 5888 : index
      %swap3A_921 = vector.load %arg6[%swap3A_919, %swap3A_920] : memref<16x8192xf32, #tpu.memory_space<vmem>>, vector<16x256xf32>
      tpu.vector_store %arg6[%swap3A_919, %swap3A_920], %min3A_918 {strides = array<i32>} : memref<16x8192xf32, #tpu.memory_space<vmem>>, vector<16x256xf32>,
      %gt3A_922 = arith.cmpf ogt, %min3A_918, %select_n3A_887 : vector<16x256xf32>
      %select_n3A_923 = arith.select %gt3A_922, %min3A_918, %select_n3A_887 : vector<16x256xi1>, vector<16x256xf32>
      %get3A_924 = arith.constant 0 : index
      %get3A_925 = arith.constant 5888 : index
      %get3A_926 = vector.load %arg7[%get3A_924, %get3A_925] : memref<16x8192xi32, #tpu.memory_space<vmem>>, vector<16x256xi32>
      %select_n3A_927 = arith.select %gt3A_922, %get3A_926, %select_n3A_891 : vector<16x256xi1>, vector<16x256xi32>
      %select_n3A_928 = arith.select %gt3A_922, %get3A_897, %select_n3A_892 : vector<16x256xi1>, vector<16x256xf32>
      %select_n3A_929 = arith.select %gt3A_922, %get3A_900, %select_n3A_893 : vector<16x256xi1>, vector<16x256xf32>
      %select_n3A_930 = arith.select %gt3A_922, %get3A_903, %select_n3A_894 : vector<16x256xi1>, vector<16x256xf32>
      %get3A_931 = arith.constant 0 : index
      %get3A_932 = arith.constant 6144 : index
      %get3A_933 = vector.load %arg0[%get3A_931, %get3A_932] : memref<16x8192xf32, #tpu.memory_space<vmem>>, vector<16x256xf32>
      %get3A_934 = arith.constant 0 : index
      %get3A_935 = arith.constant 6144 : index
      %get3A_936 = vector.load %arg1[%get3A_934, %get3A_935] : memref<16x8192xf32, #tpu.memory_space<vmem>>, vector<16x256xf32>
      %get3A_937 = arith.constant 0 : index
      %get3A_938 = arith.constant 6144 : index
      %get3A_939 = vector.load %arg2[%get3A_937, %get3A_938] : memref<16x8192xf32, #tpu.memory_space<vmem>>, vector<16x256xf32>
      %sub3A_940 = vector.broadcast %scan3A_46 : vector<16x1xf32> to vector<16x256xf32>
      %sub3A_941 = arith.subf %get3A_933, %sub3A_940 : vector<16x256xf32>
      %sub3A_942 = vector.broadcast %scan3A_47 : vector<16x1xf32> to vector<16x256xf32>
      %sub3A_943 = arith.subf %get3A_936, %sub3A_942 : vector<16x256xf32>
      %sub3A_944 = vector.broadcast %scan3A_48 : vector<16x1xf32> to vector<16x256xf32>
      %sub3A_945 = arith.subf %get3A_939, %sub3A_944 : vector<16x256xf32>
      %get3A_946 = arith.constant 0 : index
      %get3A_947 = arith.constant 6144 : index
      %get3A_948 = vector.load %arg6[%get3A_946, %get3A_947] : memref<16x8192xf32, #tpu.memory_space<vmem>>, vector<16x256xf32>
      %mul3A_949 = arith.mulf %sub3A_941, %sub3A_941 : vector<16x256xf32>
      %mul3A_950 = arith.mulf %sub3A_945, %sub3A_945 : vector<16x256xf32>
      %add3A_951 = arith.addf %mul3A_949, %mul3A_950 : vector<16x256xf32>
      %mul3A_952 = arith.mulf %sub3A_943, %sub3A_943 : vector<16x256xf32>
      %add3A_953 = arith.addf %add3A_951, %mul3A_952 : vector<16x256xf32>
      %min3A_954 = arith.minimumf %get3A_948, %add3A_953 : vector<16x256xf32>
      %swap3A_955 = arith.constant 0 : index
      %swap3A_956 = arith.constant 6144 : index
      %swap3A_957 = vector.load %arg6[%swap3A_955, %swap3A_956] : memref<16x8192xf32, #tpu.memory_space<vmem>>, vector<16x256xf32>
      tpu.vector_store %arg6[%swap3A_955, %swap3A_956], %min3A_954 {strides = array<i32>} : memref<16x8192xf32, #tpu.memory_space<vmem>>, vector<16x256xf32>,
      %gt3A_958 = arith.cmpf ogt, %min3A_954, %select_n3A_923 : vector<16x256xf32>
      %select_n3A_959 = arith.select %gt3A_958, %min3A_954, %select_n3A_923 : vector<16x256xi1>, vector<16x256xf32>
      %get3A_960 = arith.constant 0 : index
      %get3A_961 = arith.constant 6144 : index
      %get3A_962 = vector.load %arg7[%get3A_960, %get3A_961] : memref<16x8192xi32, #tpu.memory_space<vmem>>, vector<16x256xi32>
      %select_n3A_963 = arith.select %gt3A_958, %get3A_962, %select_n3A_927 : vector<16x256xi1>, vector<16x256xi32>
      %select_n3A_964 = arith.select %gt3A_958, %get3A_933, %select_n3A_928 : vector<16x256xi1>, vector<16x256xf32>
      %select_n3A_965 = arith.select %gt3A_958, %get3A_936, %select_n3A_929 : vector<16x256xi1>, vector<16x256xf32>
      %select_n3A_966 = arith.select %gt3A_958, %get3A_939, %select_n3A_930 : vector<16x256xi1>, vector<16x256xf32>
      %get3A_967 = arith.constant 0 : index
      %get3A_968 = arith.constant 6400 : index
      %get3A_969 = vector.load %arg0[%get3A_967, %get3A_968] : memref<16x8192xf32, #tpu.memory_space<vmem>>, vector<16x256xf32>
      %get3A_970 = arith.constant 0 : index
      %get3A_971 = arith.constant 6400 : index
      %get3A_972 = vector.load %arg1[%get3A_970, %get3A_971] : memref<16x8192xf32, #tpu.memory_space<vmem>>, vector<16x256xf32>
      %get3A_973 = arith.constant 0 : index
      %get3A_974 = arith.constant 6400 : index
      %get3A_975 = vector.load %arg2[%get3A_973, %get3A_974] : memref<16x8192xf32, #tpu.memory_space<vmem>>, vector<16x256xf32>
      %sub3A_976 = vector.broadcast %scan3A_46 : vector<16x1xf32> to vector<16x256xf32>
      %sub3A_977 = arith.subf %get3A_969, %sub3A_976 : vector<16x256xf32>
      %sub3A_978 = vector.broadcast %scan3A_47 : vector<16x1xf32> to vector<16x256xf32>
      %sub3A_979 = arith.subf %get3A_972, %sub3A_978 : vector<16x256xf32>
      %sub3A_980 = vector.broadcast %scan3A_48 : vector<16x1xf32> to vector<16x256xf32>
      %sub3A_981 = arith.subf %get3A_975, %sub3A_980 : vector<16x256xf32>
      %get3A_982 = arith.constant 0 : index
      %get3A_983 = arith.constant 6400 : index
      %get3A_984 = vector.load %arg6[%get3A_982, %get3A_983] : memref<16x8192xf32, #tpu.memory_space<vmem>>, vector<16x256xf32>
      %mul3A_985 = arith.mulf %sub3A_977, %sub3A_977 : vector<16x256xf32>
      %mul3A_986 = arith.mulf %sub3A_981, %sub3A_981 : vector<16x256xf32>
      %add3A_987 = arith.addf %mul3A_985, %mul3A_986 : vector<16x256xf32>
      %mul3A_988 = arith.mulf %sub3A_979, %sub3A_979 : vector<16x256xf32>
      %add3A_989 = arith.addf %add3A_987, %mul3A_988 : vector<16x256xf32>
      %min3A_990 = arith.minimumf %get3A_984, %add3A_989 : vector<16x256xf32>
      %swap3A_991 = arith.constant 0 : index
      %swap3A_992 = arith.constant 6400 : index
      %swap3A_993 = vector.load %arg6[%swap3A_991, %swap3A_992] : memref<16x8192xf32, #tpu.memory_space<vmem>>, vector<16x256xf32>
      tpu.vector_store %arg6[%swap3A_991, %swap3A_992], %min3A_990 {strides = array<i32>} : memref<16x8192xf32, #tpu.memory_space<vmem>>, vector<16x256xf32>,
      %gt3A_994 = arith.cmpf ogt, %min3A_990, %select_n3A_959 : vector<16x256xf32>
      %select_n3A_995 = arith.select %gt3A_994, %min3A_990, %select_n3A_959 : vector<16x256xi1>, vector<16x256xf32>
      %get3A_996 = arith.constant 0 : index
      %get3A_997 = arith.constant 6400 : index
      %get3A_998 = vector.load %arg7[%get3A_996, %get3A_997] : memref<16x8192xi32, #tpu.memory_space<vmem>>, vector<16x256xi32>
      %select_n3A_999 = arith.select %gt3A_994, %get3A_998, %select_n3A_963 : vector<16x256xi1>, vector<16x256xi32>
      %select_n3A_1000 = arith.select %gt3A_994, %get3A_969, %select_n3A_964 : vector<16x256xi1>, vector<16x256xf32>
      %select_n3A_1001 = arith.select %gt3A_994, %get3A_972, %select_n3A_965 : vector<16x256xi1>, vector<16x256xf32>
      %select_n3A_1002 = arith.select %gt3A_994, %get3A_975, %select_n3A_966 : vector<16x256xi1>, vector<16x256xf32>
      %get3A_1003 = arith.constant 0 : index
      %get3A_1004 = arith.constant 6656 : index
      %get3A_1005 = vector.load %arg0[%get3A_1003, %get3A_1004] : memref<16x8192xf32, #tpu.memory_space<vmem>>, vector<16x256xf32>
      %get3A_1006 = arith.constant 0 : index
      %get3A_1007 = arith.constant 6656 : index
      %get3A_1008 = vector.load %arg1[%get3A_1006, %get3A_1007] : memref<16x8192xf32, #tpu.memory_space<vmem>>, vector<16x256xf32>
      %get3A_1009 = arith.constant 0 : index
      %get3A_1010 = arith.constant 6656 : index
      %get3A_1011 = vector.load %arg2[%get3A_1009, %get3A_1010] : memref<16x8192xf32, #tpu.memory_space<vmem>>, vector<16x256xf32>
      %sub3A_1012 = vector.broadcast %scan3A_46 : vector<16x1xf32> to vector<16x256xf32>
      %sub3A_1013 = arith.subf %get3A_1005, %sub3A_1012 : vector<16x256xf32>
      %sub3A_1014 = vector.broadcast %scan3A_47 : vector<16x1xf32> to vector<16x256xf32>
      %sub3A_1015 = arith.subf %get3A_1008, %sub3A_1014 : vector<16x256xf32>
      %sub3A_1016 = vector.broadcast %scan3A_48 : vector<16x1xf32> to vector<16x256xf32>
      %sub3A_1017 = arith.subf %get3A_1011, %sub3A_1016 : vector<16x256xf32>
      %get3A_1018 = arith.constant 0 : index
      %get3A_1019 = arith.constant 6656 : index
      %get3A_1020 = vector.load %arg6[%get3A_1018, %get3A_1019] : memref<16x8192xf32, #tpu.memory_space<vmem>>, vector<16x256xf32>
      %mul3A_1021 = arith.mulf %sub3A_1013, %sub3A_1013 : vector<16x256xf32>
      %mul3A_1022 = arith.mulf %sub3A_1017, %sub3A_1017 : vector<16x256xf32>
      %add3A_1023 = arith.addf %mul3A_1021, %mul3A_1022 : vector<16x256xf32>
      %mul3A_1024 = arith.mulf %sub3A_1015, %sub3A_1015 : vector<16x256xf32>
      %add3A_1025 = arith.addf %add3A_1023, %mul3A_1024 : vector<16x256xf32>
      %min3A_1026 = arith.minimumf %get3A_1020, %add3A_1025 : vector<16x256xf32>
      %swap3A_1027 = arith.constant 0 : index
      %swap3A_1028 = arith.constant 6656 : index
      %swap3A_1029 = vector.load %arg6[%swap3A_1027, %swap3A_1028] : memref<16x8192xf32, #tpu.memory_space<vmem>>, vector<16x256xf32>
      tpu.vector_store %arg6[%swap3A_1027, %swap3A_1028], %min3A_1026 {strides = array<i32>} : memref<16x8192xf32, #tpu.memory_space<vmem>>, vector<16x256xf32>,
      %gt3A_1030 = arith.cmpf ogt, %min3A_1026, %select_n3A_995 : vector<16x256xf32>
      %select_n3A_1031 = arith.select %gt3A_1030, %min3A_1026, %select_n3A_995 : vector<16x256xi1>, vector<16x256xf32>
      %get3A_1032 = arith.constant 0 : index
      %get3A_1033 = arith.constant 6656 : index
      %get3A_1034 = vector.load %arg7[%get3A_1032, %get3A_1033] : memref<16x8192xi32, #tpu.memory_space<vmem>>, vector<16x256xi32>
      %select_n3A_1035 = arith.select %gt3A_1030, %get3A_1034, %select_n3A_999 : vector<16x256xi1>, vector<16x256xi32>
      %select_n3A_1036 = arith.select %gt3A_1030, %get3A_1005, %select_n3A_1000 : vector<16x256xi1>, vector<16x256xf32>
      %select_n3A_1037 = arith.select %gt3A_1030, %get3A_1008, %select_n3A_1001 : vector<16x256xi1>, vector<16x256xf32>
      %select_n3A_1038 = arith.select %gt3A_1030, %get3A_1011, %select_n3A_1002 : vector<16x256xi1>, vector<16x256xf32>
      %get3A_1039 = arith.constant 0 : index
      %get3A_1040 = arith.constant 6912 : index
      %get3A_1041 = vector.load %arg0[%get3A_1039, %get3A_1040] : memref<16x8192xf32, #tpu.memory_space<vmem>>, vector<16x256xf32>
      %get3A_1042 = arith.constant 0 : index
      %get3A_1043 = arith.constant 6912 : index
      %get3A_1044 = vector.load %arg1[%get3A_1042, %get3A_1043] : memref<16x8192xf32, #tpu.memory_space<vmem>>, vector<16x256xf32>
      %get3A_1045 = arith.constant 0 : index
      %get3A_1046 = arith.constant 6912 : index
      %get3A_1047 = vector.load %arg2[%get3A_1045, %get3A_1046] : memref<16x8192xf32, #tpu.memory_space<vmem>>, vector<16x256xf32>
      %sub3A_1048 = vector.broadcast %scan3A_46 : vector<16x1xf32> to vector<16x256xf32>
      %sub3A_1049 = arith.subf %get3A_1041, %sub3A_1048 : vector<16x256xf32>
      %sub3A_1050 = vector.broadcast %scan3A_47 : vector<16x1xf32> to vector<16x256xf32>
      %sub3A_1051 = arith.subf %get3A_1044, %sub3A_1050 : vector<16x256xf32>
      %sub3A_1052 = vector.broadcast %scan3A_48 : vector<16x1xf32> to vector<16x256xf32>
      %sub3A_1053 = arith.subf %get3A_1047, %sub3A_1052 : vector<16x256xf32>
      %get3A_1054 = arith.constant 0 : index
      %get3A_1055 = arith.constant 6912 : index
      %get3A_1056 = vector.load %arg6[%get3A_1054, %get3A_1055] : memref<16x8192xf32, #tpu.memory_space<vmem>>, vector<16x256xf32>
      %mul3A_1057 = arith.mulf %sub3A_1049, %sub3A_1049 : vector<16x256xf32>
      %mul3A_1058 = arith.mulf %sub3A_1053, %sub3A_1053 : vector<16x256xf32>
      %add3A_1059 = arith.addf %mul3A_1057, %mul3A_1058 : vector<16x256xf32>
      %mul3A_1060 = arith.mulf %sub3A_1051, %sub3A_1051 : vector<16x256xf32>
      %add3A_1061 = arith.addf %add3A_1059, %mul3A_1060 : vector<16x256xf32>
      %min3A_1062 = arith.minimumf %get3A_1056, %add3A_1061 : vector<16x256xf32>
      %swap3A_1063 = arith.constant 0 : index
      %swap3A_1064 = arith.constant 6912 : index
      %swap3A_1065 = vector.load %arg6[%swap3A_1063, %swap3A_1064] : memref<16x8192xf32, #tpu.memory_space<vmem>>, vector<16x256xf32>
      tpu.vector_store %arg6[%swap3A_1063, %swap3A_1064], %min3A_1062 {strides = array<i32>} : memref<16x8192xf32, #tpu.memory_space<vmem>>, vector<16x256xf32>,
      %gt3A_1066 = arith.cmpf ogt, %min3A_1062, %select_n3A_1031 : vector<16x256xf32>
      %select_n3A_1067 = arith.select %gt3A_1066, %min3A_1062, %select_n3A_1031 : vector<16x256xi1>, vector<16x256xf32>
      %get3A_1068 = arith.constant 0 : index
      %get3A_1069 = arith.constant 6912 : index
      %get3A_1070 = vector.load %arg7[%get3A_1068, %get3A_1069] : memref<16x8192xi32, #tpu.memory_space<vmem>>, vector<16x256xi32>
      %select_n3A_1071 = arith.select %gt3A_1066, %get3A_1070, %select_n3A_1035 : vector<16x256xi1>, vector<16x256xi32>
      %select_n3A_1072 = arith.select %gt3A_1066, %get3A_1041, %select_n3A_1036 : vector<16x256xi1>, vector<16x256xf32>
      %select_n3A_1073 = arith.select %gt3A_1066, %get3A_1044, %select_n3A_1037 : vector<16x256xi1>, vector<16x256xf32>
      %select_n3A_1074 = arith.select %gt3A_1066, %get3A_1047, %select_n3A_1038 : vector<16x256xi1>, vector<16x256xf32>
      %get3A_1075 = arith.constant 0 : index
      %get3A_1076 = arith.constant 7168 : index
      %get3A_1077 = vector.load %arg0[%get3A_1075, %get3A_1076] : memref<16x8192xf32, #tpu.memory_space<vmem>>, vector<16x256xf32>
      %get3A_1078 = arith.constant 0 : index
      %get3A_1079 = arith.constant 7168 : index
      %get3A_1080 = vector.load %arg1[%get3A_1078, %get3A_1079] : memref<16x8192xf32, #tpu.memory_space<vmem>>, vector<16x256xf32>
      %get3A_1081 = arith.constant 0 : index
      %get3A_1082 = arith.constant 7168 : index
      %get3A_1083 = vector.load %arg2[%get3A_1081, %get3A_1082] : memref<16x8192xf32, #tpu.memory_space<vmem>>, vector<16x256xf32>
      %sub3A_1084 = vector.broadcast %scan3A_46 : vector<16x1xf32> to vector<16x256xf32>
      %sub3A_1085 = arith.subf %get3A_1077, %sub3A_1084 : vector<16x256xf32>
      %sub3A_1086 = vector.broadcast %scan3A_47 : vector<16x1xf32> to vector<16x256xf32>
      %sub3A_1087 = arith.subf %get3A_1080, %sub3A_1086 : vector<16x256xf32>
      %sub3A_1088 = vector.broadcast %scan3A_48 : vector<16x1xf32> to vector<16x256xf32>
      %sub3A_1089 = arith.subf %get3A_1083, %sub3A_1088 : vector<16x256xf32>
      %get3A_1090 = arith.constant 0 : index
      %get3A_1091 = arith.constant 7168 : index
      %get3A_1092 = vector.load %arg6[%get3A_1090, %get3A_1091] : memref<16x8192xf32, #tpu.memory_space<vmem>>, vector<16x256xf32>
      %mul3A_1093 = arith.mulf %sub3A_1085, %sub3A_1085 : vector<16x256xf32>
      %mul3A_1094 = arith.mulf %sub3A_1089, %sub3A_1089 : vector<16x256xf32>
      %add3A_1095 = arith.addf %mul3A_1093, %mul3A_1094 : vector<16x256xf32>
      %mul3A_1096 = arith.mulf %sub3A_1087, %sub3A_1087 : vector<16x256xf32>
      %add3A_1097 = arith.addf %add3A_1095, %mul3A_1096 : vector<16x256xf32>
      %min3A_1098 = arith.minimumf %get3A_1092, %add3A_1097 : vector<16x256xf32>
      %swap3A_1099 = arith.constant 0 : index
      %swap3A_1100 = arith.constant 7168 : index
      %swap3A_1101 = vector.load %arg6[%swap3A_1099, %swap3A_1100] : memref<16x8192xf32, #tpu.memory_space<vmem>>, vector<16x256xf32>
      tpu.vector_store %arg6[%swap3A_1099, %swap3A_1100], %min3A_1098 {strides = array<i32>} : memref<16x8192xf32, #tpu.memory_space<vmem>>, vector<16x256xf32>,
      %gt3A_1102 = arith.cmpf ogt, %min3A_1098, %select_n3A_1067 : vector<16x256xf32>
      %select_n3A_1103 = arith.select %gt3A_1102, %min3A_1098, %select_n3A_1067 : vector<16x256xi1>, vector<16x256xf32>
      %get3A_1104 = arith.constant 0 : index
      %get3A_1105 = arith.constant 7168 : index
      %get3A_1106 = vector.load %arg7[%get3A_1104, %get3A_1105] : memref<16x8192xi32, #tpu.memory_space<vmem>>, vector<16x256xi32>
      %select_n3A_1107 = arith.select %gt3A_1102, %get3A_1106, %select_n3A_1071 : vector<16x256xi1>, vector<16x256xi32>
      %select_n3A_1108 = arith.select %gt3A_1102, %get3A_1077, %select_n3A_1072 : vector<16x256xi1>, vector<16x256xf32>
      %select_n3A_1109 = arith.select %gt3A_1102, %get3A_1080, %select_n3A_1073 : vector<16x256xi1>, vector<16x256xf32>
      %select_n3A_1110 = arith.select %gt3A_1102, %get3A_1083, %select_n3A_1074 : vector<16x256xi1>, vector<16x256xf32>
      %get3A_1111 = arith.constant 0 : index
      %get3A_1112 = arith.constant 7424 : index
      %get3A_1113 = vector.load %arg0[%get3A_1111, %get3A_1112] : memref<16x8192xf32, #tpu.memory_space<vmem>>, vector<16x256xf32>
      %get3A_1114 = arith.constant 0 : index
      %get3A_1115 = arith.constant 7424 : index
      %get3A_1116 = vector.load %arg1[%get3A_1114, %get3A_1115] : memref<16x8192xf32, #tpu.memory_space<vmem>>, vector<16x256xf32>
      %get3A_1117 = arith.constant 0 : index
      %get3A_1118 = arith.constant 7424 : index
      %get3A_1119 = vector.load %arg2[%get3A_1117, %get3A_1118] : memref<16x8192xf32, #tpu.memory_space<vmem>>, vector<16x256xf32>
      %sub3A_1120 = vector.broadcast %scan3A_46 : vector<16x1xf32> to vector<16x256xf32>
      %sub3A_1121 = arith.subf %get3A_1113, %sub3A_1120 : vector<16x256xf32>
      %sub3A_1122 = vector.broadcast %scan3A_47 : vector<16x1xf32> to vector<16x256xf32>
      %sub3A_1123 = arith.subf %get3A_1116, %sub3A_1122 : vector<16x256xf32>
      %sub3A_1124 = vector.broadcast %scan3A_48 : vector<16x1xf32> to vector<16x256xf32>
      %sub3A_1125 = arith.subf %get3A_1119, %sub3A_1124 : vector<16x256xf32>
      %get3A_1126 = arith.constant 0 : index
      %get3A_1127 = arith.constant 7424 : index
      %get3A_1128 = vector.load %arg6[%get3A_1126, %get3A_1127] : memref<16x8192xf32, #tpu.memory_space<vmem>>, vector<16x256xf32>
      %mul3A_1129 = arith.mulf %sub3A_1121, %sub3A_1121 : vector<16x256xf32>
      %mul3A_1130 = arith.mulf %sub3A_1125, %sub3A_1125 : vector<16x256xf32>
      %add3A_1131 = arith.addf %mul3A_1129, %mul3A_1130 : vector<16x256xf32>
      %mul3A_1132 = arith.mulf %sub3A_1123, %sub3A_1123 : vector<16x256xf32>
      %add3A_1133 = arith.addf %add3A_1131, %mul3A_1132 : vector<16x256xf32>
      %min3A_1134 = arith.minimumf %get3A_1128, %add3A_1133 : vector<16x256xf32>
      %swap3A_1135 = arith.constant 0 : index
      %swap3A_1136 = arith.constant 7424 : index
      %swap3A_1137 = vector.load %arg6[%swap3A_1135, %swap3A_1136] : memref<16x8192xf32, #tpu.memory_space<vmem>>, vector<16x256xf32>
      tpu.vector_store %arg6[%swap3A_1135, %swap3A_1136], %min3A_1134 {strides = array<i32>} : memref<16x8192xf32, #tpu.memory_space<vmem>>, vector<16x256xf32>,
      %gt3A_1138 = arith.cmpf ogt, %min3A_1134, %select_n3A_1103 : vector<16x256xf32>
      %select_n3A_1139 = arith.select %gt3A_1138, %min3A_1134, %select_n3A_1103 : vector<16x256xi1>, vector<16x256xf32>
      %get3A_1140 = arith.constant 0 : index
      %get3A_1141 = arith.constant 7424 : index
      %get3A_1142 = vector.load %arg7[%get3A_1140, %get3A_1141] : memref<16x8192xi32, #tpu.memory_space<vmem>>, vector<16x256xi32>
      %select_n3A_1143 = arith.select %gt3A_1138, %get3A_1142, %select_n3A_1107 : vector<16x256xi1>, vector<16x256xi32>
      %select_n3A_1144 = arith.select %gt3A_1138, %get3A_1113, %select_n3A_1108 : vector<16x256xi1>, vector<16x256xf32>
      %select_n3A_1145 = arith.select %gt3A_1138, %get3A_1116, %select_n3A_1109 : vector<16x256xi1>, vector<16x256xf32>
      %select_n3A_1146 = arith.select %gt3A_1138, %get3A_1119, %select_n3A_1110 : vector<16x256xi1>, vector<16x256xf32>
      %get3A_1147 = arith.constant 0 : index
      %get3A_1148 = arith.constant 7680 : index
      %get3A_1149 = vector.load %arg0[%get3A_1147, %get3A_1148] : memref<16x8192xf32, #tpu.memory_space<vmem>>, vector<16x256xf32>
      %get3A_1150 = arith.constant 0 : index
      %get3A_1151 = arith.constant 7680 : index
      %get3A_1152 = vector.load %arg1[%get3A_1150, %get3A_1151] : memref<16x8192xf32, #tpu.memory_space<vmem>>, vector<16x256xf32>
      %get3A_1153 = arith.constant 0 : index
      %get3A_1154 = arith.constant 7680 : index
      %get3A_1155 = vector.load %arg2[%get3A_1153, %get3A_1154] : memref<16x8192xf32, #tpu.memory_space<vmem>>, vector<16x256xf32>
      %sub3A_1156 = vector.broadcast %scan3A_46 : vector<16x1xf32> to vector<16x256xf32>
      %sub3A_1157 = arith.subf %get3A_1149, %sub3A_1156 : vector<16x256xf32>
      %sub3A_1158 = vector.broadcast %scan3A_47 : vector<16x1xf32> to vector<16x256xf32>
      %sub3A_1159 = arith.subf %get3A_1152, %sub3A_1158 : vector<16x256xf32>
      %sub3A_1160 = vector.broadcast %scan3A_48 : vector<16x1xf32> to vector<16x256xf32>
      %sub3A_1161 = arith.subf %get3A_1155, %sub3A_1160 : vector<16x256xf32>
      %get3A_1162 = arith.constant 0 : index
      %get3A_1163 = arith.constant 7680 : index
      %get3A_1164 = vector.load %arg6[%get3A_1162, %get3A_1163] : memref<16x8192xf32, #tpu.memory_space<vmem>>, vector<16x256xf32>
      %mul3A_1165 = arith.mulf %sub3A_1157, %sub3A_1157 : vector<16x256xf32>
      %mul3A_1166 = arith.mulf %sub3A_1161, %sub3A_1161 : vector<16x256xf32>
      %add3A_1167 = arith.addf %mul3A_1165, %mul3A_1166 : vector<16x256xf32>
      %mul3A_1168 = arith.mulf %sub3A_1159, %sub3A_1159 : vector<16x256xf32>
      %add3A_1169 = arith.addf %add3A_1167, %mul3A_1168 : vector<16x256xf32>
      %min3A_1170 = arith.minimumf %get3A_1164, %add3A_1169 : vector<16x256xf32>
      %swap3A_1171 = arith.constant 0 : index
      %swap3A_1172 = arith.constant 7680 : index
      %swap3A_1173 = vector.load %arg6[%swap3A_1171, %swap3A_1172] : memref<16x8192xf32, #tpu.memory_space<vmem>>, vector<16x256xf32>
      tpu.vector_store %arg6[%swap3A_1171, %swap3A_1172], %min3A_1170 {strides = array<i32>} : memref<16x8192xf32, #tpu.memory_space<vmem>>, vector<16x256xf32>,
      %gt3A_1174 = arith.cmpf ogt, %min3A_1170, %select_n3A_1139 : vector<16x256xf32>
      %select_n3A_1175 = arith.select %gt3A_1174, %min3A_1170, %select_n3A_1139 : vector<16x256xi1>, vector<16x256xf32>
      %get3A_1176 = arith.constant 0 : index
      %get3A_1177 = arith.constant 7680 : index
      %get3A_1178 = vector.load %arg7[%get3A_1176, %get3A_1177] : memref<16x8192xi32, #tpu.memory_space<vmem>>, vector<16x256xi32>
      %select_n3A_1179 = arith.select %gt3A_1174, %get3A_1178, %select_n3A_1143 : vector<16x256xi1>, vector<16x256xi32>
      %select_n3A_1180 = arith.select %gt3A_1174, %get3A_1149, %select_n3A_1144 : vector<16x256xi1>, vector<16x256xf32>
      %select_n3A_1181 = arith.select %gt3A_1174, %get3A_1152, %select_n3A_1145 : vector<16x256xi1>, vector<16x256xf32>
      %select_n3A_1182 = arith.select %gt3A_1174, %get3A_1155, %select_n3A_1146 : vector<16x256xi1>, vector<16x256xf32>
      %get3A_1183 = arith.constant 0 : index
      %get3A_1184 = arith.constant 7936 : index
      %get3A_1185 = vector.load %arg0[%get3A_1183, %get3A_1184] : memref<16x8192xf32, #tpu.memory_space<vmem>>, vector<16x256xf32>
      %get3A_1186 = arith.constant 0 : index
      %get3A_1187 = arith.constant 7936 : index
      %get3A_1188 = vector.load %arg1[%get3A_1186, %get3A_1187] : memref<16x8192xf32, #tpu.memory_space<vmem>>, vector<16x256xf32>
      %get3A_1189 = arith.constant 0 : index
      %get3A_1190 = arith.constant 7936 : index
      %get3A_1191 = vector.load %arg2[%get3A_1189, %get3A_1190] : memref<16x8192xf32, #tpu.memory_space<vmem>>, vector<16x256xf32>
      %sub3A_1192 = vector.broadcast %scan3A_46 : vector<16x1xf32> to vector<16x256xf32>
      %sub3A_1193 = arith.subf %get3A_1185, %sub3A_1192 : vector<16x256xf32>
      %sub3A_1194 = vector.broadcast %scan3A_47 : vector<16x1xf32> to vector<16x256xf32>
      %sub3A_1195 = arith.subf %get3A_1188, %sub3A_1194 : vector<16x256xf32>
      %sub3A_1196 = vector.broadcast %scan3A_48 : vector<16x1xf32> to vector<16x256xf32>
      %sub3A_1197 = arith.subf %get3A_1191, %sub3A_1196 : vector<16x256xf32>
      %get3A_1198 = arith.constant 0 : index
      %get3A_1199 = arith.constant 7936 : index
      %get3A_1200 = vector.load %arg6[%get3A_1198, %get3A_1199] : memref<16x8192xf32, #tpu.memory_space<vmem>>, vector<16x256xf32>
      %mul3A_1201 = arith.mulf %sub3A_1193, %sub3A_1193 : vector<16x256xf32>
      %mul3A_1202 = arith.mulf %sub3A_1197, %sub3A_1197 : vector<16x256xf32>
      %add3A_1203 = arith.addf %mul3A_1201, %mul3A_1202 : vector<16x256xf32>
      %mul3A_1204 = arith.mulf %sub3A_1195, %sub3A_1195 : vector<16x256xf32>
      %add3A_1205 = arith.addf %add3A_1203, %mul3A_1204 : vector<16x256xf32>
      %min3A_1206 = arith.minimumf %get3A_1200, %add3A_1205 : vector<16x256xf32>
      %swap3A_1207 = arith.constant 0 : index
      %swap3A_1208 = arith.constant 7936 : index
      %swap3A_1209 = vector.load %arg6[%swap3A_1207, %swap3A_1208] : memref<16x8192xf32, #tpu.memory_space<vmem>>, vector<16x256xf32>
      tpu.vector_store %arg6[%swap3A_1207, %swap3A_1208], %min3A_1206 {strides = array<i32>} : memref<16x8192xf32, #tpu.memory_space<vmem>>, vector<16x256xf32>,
      %gt3A_1210 = arith.cmpf ogt, %min3A_1206, %select_n3A_1175 : vector<16x256xf32>
      %select_n3A_1211 = arith.select %gt3A_1210, %min3A_1206, %select_n3A_1175 : vector<16x256xi1>, vector<16x256xf32>
      %get3A_1212 = arith.constant 0 : index
      %get3A_1213 = arith.constant 7936 : index
      %get3A_1214 = vector.load %arg7[%get3A_1212, %get3A_1213] : memref<16x8192xi32, #tpu.memory_space<vmem>>, vector<16x256xi32>
      %select_n3A_1215 = arith.select %gt3A_1210, %get3A_1214, %select_n3A_1179 : vector<16x256xi1>, vector<16x256xi32>
      %select_n3A_1216 = arith.select %gt3A_1210, %get3A_1185, %select_n3A_1180 : vector<16x256xi1>, vector<16x256xf32>
      %select_n3A_1217 = arith.select %gt3A_1210, %get3A_1188, %select_n3A_1181 : vector<16x256xi1>, vector<16x256xf32>
      %select_n3A_1218 = arith.select %gt3A_1210, %get3A_1191, %select_n3A_1182 : vector<16x256xi1>, vector<16x256xf32>
      %reduce_max3A = arith.constant dense<0xFF800000> : vector<16xf32>
      %reduce_max3A_1219 = vector.multi_reduction <maximumf>, %select_n3A_1211, %reduce_max3A [1] : vector<16x256xf32> to vector<16xf32>
      %broadcast_in_dim3A_1220 = vector.shape_cast %reduce_max3A_1219 : vector<16xf32> to vector<16x1xf32>
      %eq3A_1221 = vector.broadcast %broadcast_in_dim3A_1220 : vector<16x1xf32> to vector<16x256xf32>
      %eq3A_1222 = arith.cmpf oeq, %select_n3A_1211, %eq3A_1221 : vector<16x256xf32>
      %jit3A_1223 = arith.constant 8192 : i32
      %broadcast_in_dim3A_1224 = vector.broadcast %jit3A_1223 : i32 to vector<16x256xi32>
      %select_n3A_1225 = arith.select %eq3A_1222, %select_n3A_1215, %broadcast_in_dim3A_1224 : vector<16x256xi1>, vector<16x256xi32>
      %reduce_min3A = arith.constant dense<2147483647> : vector<16xi32>
      %reduce_min3A_1226 = vector.multi_reduction <minsi>, %select_n3A_1225, %reduce_min3A [1] : vector<16x256xi32> to vector<16xi32>
      %broadcast_in_dim3A_1227 = vector.shape_cast %reduce_min3A_1226 : vector<16xi32> to vector<16x1xi32>
      %eq3A_1228 = vector.broadcast %broadcast_in_dim3A_1227 : vector<16x1xi32> to vector<16x256xi32>
      %eq3A_1229 = arith.cmpi eq, %select_n3A_1215, %eq3A_1228 : vector<16x256xi32>
      %jit3A_1230 = arith.constant 0.000000e+00 : f32
      %broadcast_in_dim3A_1231 = vector.broadcast %jit3A_1230 : f32 to vector<16x256xf32>
      %select_n3A_1232 = arith.select %eq3A_1229, %select_n3A_1216, %broadcast_in_dim3A_1231 : vector<16x256xi1>, vector<16x256xf32>
      %reduce_sum3A_1233 = arith.constant dense<0.000000e+00> : vector<16xf32>
      %reduce_sum3A_1234 = vector.multi_reduction <add>, %select_n3A_1232, %reduce_sum3A_1233 [1] : vector<16x256xf32> to vector<16xf32>
      %broadcast_in_dim3A_1235 = vector.shape_cast %reduce_sum3A_1234 : vector<16xf32> to vector<16x1xf32>
      %jit3A_1236 = arith.constant 0.000000e+00 : f32
      %broadcast_in_dim3A_1237 = vector.broadcast %jit3A_1236 : f32 to vector<16x256xf32>
      %select_n3A_1238 = arith.select %eq3A_1229, %select_n3A_1217, %broadcast_in_dim3A_1237 : vector<16x256xi1>, vector<16x256xf32>
      %reduce_sum3A_1239 = arith.constant dense<0.000000e+00> : vector<16xf32>
      %reduce_sum3A_1240 = vector.multi_reduction <add>, %select_n3A_1238, %reduce_sum3A_1239 [1] : vector<16x256xf32> to vector<16xf32>
      %broadcast_in_dim3A_1241 = vector.shape_cast %reduce_sum3A_1240 : vector<16xf32> to vector<16x1xf32>
      %jit3A_1242 = arith.constant 0.000000e+00 : f32
      %broadcast_in_dim3A_1243 = vector.broadcast %jit3A_1242 : f32 to vector<16x256xf32>
      %select_n3A_1244 = arith.select %eq3A_1229, %select_n3A_1218, %broadcast_in_dim3A_1243 : vector<16x256xi1>, vector<16x256xf32>
      %reduce_sum3A_1245 = arith.constant dense<0.000000e+00> : vector<16xf32>
      %reduce_sum3A_1246 = vector.multi_reduction <add>, %select_n3A_1244, %reduce_sum3A_1245 [1] : vector<16x256xf32> to vector<16xf32>
      %broadcast_in_dim3A_1247 = vector.shape_cast %reduce_sum3A_1246 : vector<16xf32> to vector<16x1xf32>
      scf.yield %broadcast_in_dim3A_1227, %broadcast_in_dim3A_1235, %broadcast_in_dim3A_1241, %broadcast_in_dim3A_1247 : vector<16x1xi32>, vector<16x1xf32>, vector<16x1xf32>, vector<16x1xf32>
    }
    %scan3A_43 = arith.constant 2048 : i32
    return
  }
}

module attributes {stable_mosaic.version = 14 : i64} {
  func.func @_transpose_kernel(%arg0: i32, %arg1: i32, %arg2: memref<1x512x256xf32, #tpu.memory_space<vmem>>, %arg3: memref<1x256x512xf32, #tpu.memory_space<vmem>>) attributes {dimension_semantics = [#tpu.dimension_semantics<arbitrary>, #tpu.dimension_semantics<arbitrary>], iteration_bounds = array<i64: 16, 4>, scalar_prefetch = 0 : i64, scratch_operands = 0 : i64, tpu.core_type = #tpu.core_type<tc>, window_params = [{transform_indices = @transform_0, window_bounds = array<i64: 1, 512, 256>}, {transform_indices = @transform_1, window_bounds = array<i64: 1, 256, 512>}]} {
    %get3A = arith.constant 0 : index
    %get3A_0 = arith.constant 0 : index
    %get3A_1 = arith.constant 0 : index
    %get3A_2 = vector.load %arg2[%get3A, %get3A_0, %get3A_1] : memref<1x512x256xf32, #tpu.memory_space<vmem>>, vector<1x512x256xf32>
    %get3A_3 = vector.shape_cast %get3A_2 : vector<1x512x256xf32> to vector<512x256xf32>
    %transpose3A = tpu.transpose %get3A_3, [1, 0] : vector<512x256xf32> -> vector<256x512xf32>
    %swap3A = arith.constant 0 : index
    %swap3A_4 = arith.constant 0 : index
    %swap3A_5 = arith.constant 0 : index
    %swap3A_6 = vector.load %arg3[%swap3A, %swap3A_4, %swap3A_5] : memref<1x256x512xf32, #tpu.memory_space<vmem>>, vector<1x256x512xf32>
    %swap3A_7 = vector.shape_cast %swap3A_6 : vector<1x256x512xf32> to vector<256x512xf32>
    %swap3A_8 = vector.shape_cast %transpose3A : vector<256x512xf32> to vector<1x256x512xf32>
    tpu.vector_store %arg3[%swap3A, %swap3A_4, %swap3A_5], %swap3A_8 {strides = array<i32>} : memref<1x256x512xf32, #tpu.memory_space<vmem>>, vector<1x256x512xf32>,
    return
  }
  func.func @transform_0(%arg0: i32, %arg1: i32) -> (i32, i32, i32) {
    %c0_i32 = arith.constant 0 : i32
    %c0_i32_0 = arith.constant 0 : i32
    return %arg0, %arg1, %c0_i32 : i32, i32, i32
  }
  func.func @transform_1(%arg0: i32, %arg1: i32) -> (i32, i32, i32) {
    %c0_i32 = arith.constant 0 : i32
    %c0_i32_0 = arith.constant 0 : i32
    return %arg0, %c0_i32, %arg1 : i32, i32, i32
  }
}

</mosaic_0001>

<sc_bundles>
// kernel: kernel.5.cloned.1.call-start
scs
__scs_entry_jumppad:
0x0: {  	(pc) =	sbr.rel $0x88, $3  }
0x1: {  	(tag) =	ssettag $0x0;
	lr =	simm.s32 $0x1  }
0x2: {  	[smem:$0x3F9F] =	sst lr;
	_ =	strace $0xD0000000  }
0x3: {  	_ = 	snop  }
0x4: {  	_ = 	snop  }
0x5: {  	_ = 	snop  }
0x6: {  	_ = 	snop  }
0x7: {  	_ = 	snop  }
__scs_overlays_trampoline_lowered:
0x8: {  	[smem:$0x3FAE] =	sst s0  }
0x9: {  	[smem:$0x3FAF] =	sst s1  }
0xa: {  	[smem:$0x3FB0] =	sst s2  }
0xb: {  	[smem:$0x3FB1] =	sst s3  }
0xc: {  	[smem:$0x3FB2] =	sst s4  }
0xd: {  	[smem:$0x3FB3] =	sst s5  }
0xe: {  	[smem:$0x3FB4] =	sst s6  }
0xf: {  	[smem:$0x3FB5] =	sst s7  }
0x10: {  	[smem:$0x3FB6] =	sst s8  }
0x11: {  	[smem:$0x3FB7] =	sst s9;
	s0 =	simm.s32 @!p0 $0x0  }
0x12: {  	s1 =	sld [smem:$0x3F9D];
	s0 =	simm.s32 @p0 $0x1  }
0x13: {  	[smem:$0x3FB8] =	sst s0;
	s0 =	simm.s32 @!p1 $0x0  }
0x14: {  	s2 =	sld [smem:$0x3F9C];
	s0 =	simm.s32 @p1 $0x1  }
0x15: {  	[smem:$0x3FB9] =	sst s0;
	s0 =	simm.s32 @!p2 $0x0  }
0x16: {  	s3 =	sld [smem:$0x3FDB];
	s0 =	simm.s32 @p2 $0x1  }
0x17: {  	s4 =	simm.s32 $0x1BF5;
	[smem:$0x3FBB] =	sst s0  }
0x18: {  	s0 =	sld [smem:$0x3F9E];
	_ =	swait.ge [sflag:s4], $0x0  }
0x19: {  	s7 =	sld [smem:$0x3F9F]  }
0x1a: {  	s8 =	sadd.s32 $0xFFFFE003, lr  }
0x1b: {  	s9 =	sadd.s32 $0xFFFFFEF7, lr;
	s5 =	simm.s32 $0xFFFFFFFF;
	p2 =	slt.u32 s8, $0xFFFFF086  }
0x1c: {  	p1 =	slt.u32 s9, $0xF7A;
	s5 =	simm.s32 @!p2 $0x0  }
0x1d: {  	s5 =	simm.s32 @p1 $0x1;
	p0 =	seq.s32 s7, s2  }
0x1e: {  	s7 =	smul.u32 @!p0 $0xF7A, s2;
	p2 =	seq.s32 @!p0 s5, $0x0  }
0x1f: {  	s9 =	smul.u32 $0xF7A, s1;
	s8 =	simm.s32 @!p0 $0x1BF5;
	p2 =	por !p2, p0  }
0x20: {  	[sflag:s8] =	ssyncset.s32 @!p0 $0xFFFFF086;
	s6 =	sadd.s32 @!p0 s3, s7;
	s7 =	simm.s32 @!p0 $0x108  }
0x21: {  	s3 =	sadd.s32 s3, s9;
	s6 =	sadd.s32 @!p0 $0x88, s6;
	s7 =	simm.s32 @p2 $0x1082  }
0x22: {  	[simem:s7], [sflag:s8] =	dma.local @!p0 [hbm:s6], $0xF7A  }
0x23: {  	s9 =	sor.u32 $0xD0000000, s2;
	s6 =	simm.s32 $0x108;
	_ =	swait.ge @!p0 [sflag:s8], $0x0  }
0x24: {  	s3 =	sadd.s32 $0x88, s3;
	s6 =	simm.s32 @!p1 $0x1082;
	[sflag:s4] =	ssyncset.s32 $0xFFFFF086  }
0x25: {  	[simem:s6], [sflag:s4] =	dma.local [hbm:s3], $0xF7A  }
0x26: {  	[smem:$0x3F9F] =	sst s1;
	(tag) =	ssettag s2;
	_ =	strace s9  }
0x27: {  	s1 =	sld [smem:$0x3FAF]  }
0x28: {  	s2 =	sld [smem:$0x3FB0]  }
0x29: {  	s4 =	sld [smem:$0x3FB2]  }
0x2a: {  	p0 =	seq.s32 s5, $0x0;
	s5 =	sld [smem:$0x3FB3]  }
0x2b: {  	s6 =	sld [smem:$0x3FB4]  }
0x2c: {  	s7 =	sld [smem:$0x3FB5]  }
0x2d: {  	s3 =	simm.s32 $0x108;
	s8 =	sld [smem:$0x3FB6]  }
0x2e: {  	s3 =	simm.s32 @!p0 $0x1082;
	s9 =	sld [smem:$0x3FB7]  }
0x2f: {  	lr =	sadd.s32 s0, s3;
	s0 =	sld [smem:$0x3FAE]  }
0x30: {  	s3 =	sld [smem:$0x3FB1]  }
0x31: {  	[smem:$0x3FBA] =	sst s10  }
0x32: {  	s10 =	sld [smem:$0x3FB8];
	_ =	sdelay $0x3  }
0x33: {  	p0 =	seq.s32 s10, $0x1;
	s10 =	sld [smem:$0x3FBA];
	_ =	sdelay $0x3  }
0x34: {  	[smem:$0x3FBA] =	sst s10  }
0x35: {  	s10 =	sld [smem:$0x3FB9];
	_ =	sdelay $0x3  }
0x36: {  	p1 =	seq.s32 s10, $0x1;
	s10 =	sld [smem:$0x3FBA];
	_ =	sdelay $0x3  }
0x37: {  	[smem:$0x3FBA] =	sst s10  }
0x38: {  	s10 =	sld [smem:$0x3FBB]  }
0x39: {  	_ = 	snop;
	(pc) =	sbr.ind lr, $3  }
0x3a: {  	_ = 	snop  }
0x3b: {  	_ = 	snop  }
0x3c: {  	p2 =	seq.s32 s10, $0x1;
	s10 =	sld [smem:$0x3FBA]  }
0x3d: {  	_ =	shalt  }
0x3e: {  	_ =	shalt  }
0x3f: {  	_ =	shalt  }
0x40: {  	_ =	shalt  }
0x41: {  	_ =	shalt  }
0x42: {  	_ =	shalt  }
0x43: {  	_ =	shalt  }
0x44: {  	_ =	shalt  }
0x45: {  	_ =	shalt  }
0x46: {  	_ =	shalt  }
0x47: {  	_ =	shalt  }
0x48: {  	_ =	shalt  }
0x49: {  	_ =	shalt  }
0x4a: {  	_ =	shalt  }
0x4b: {  	_ =	shalt  }
0x4c: {  	_ =	shalt  }
0x4d: {  	_ =	shalt  }
0x4e: {  	_ =	shalt  }
0x4f: {  	_ =	shalt  }
0x50: {  	_ =	shalt  }
0x51: {  	_ =	shalt  }
0x52: {  	_ =	shalt  }
0x53: {  	_ =	shalt  }
0x54: {  	_ =	shalt  }
0x55: {  	_ =	shalt  }
0x56: {  	_ =	shalt  }
0x57: {  	_ =	shalt  }
0x58: {  	_ =	shalt  }
0x59: {  	_ =	shalt  }
0x5a: {  	_ =	shalt  }
0x5b: {  	_ =	shalt  }
0x5c: {  	_ =	shalt  }
0x5d: {  	_ =	shalt  }
0x5e: {  	_ =	shalt  }
0x5f: {  	_ =	shalt  }
0x60: {  	_ =	shalt  }
0x61: {  	_ =	shalt  }
0x62: {  	_ =	shalt  }
0x63: {  	_ =	shalt  }
0x64: {  	_ =	shalt  }
0x65: {  	_ =	shalt  }
0x66: {  	_ =	shalt  }
0x67: {  	_ =	shalt  }
0x68: {  	_ =	shalt  }
0x69: {  	_ =	shalt  }
0x6a: {  	_ =	shalt  }
0x6b: {  	_ =	shalt  }
0x6c: {  	_ =	shalt  }
0x6d: {  	_ =	shalt  }
0x6e: {  	_ =	shalt  }
0x6f: {  	_ =	shalt  }
0x70: {  	_ =	shalt  }
0x71: {  	_ =	shalt  }
0x72: {  	_ =	shalt  }
0x73: {  	_ =	shalt  }
0x74: {  	_ =	shalt  }
0x75: {  	_ =	shalt  }
0x76: {  	_ =	shalt  }
0x77: {  	_ =	shalt  }
0x78: {  	_ =	shalt  }
0x79: {  	_ =	shalt  }
0x7a: {  	_ =	shalt  }
0x7b: {  	_ =	shalt  }
0x7c: {  	_ =	shalt  }
0x7d: {  	_ =	shalt  }
0x7e: {  	_ =	shalt  }
0x7f: {  	_ =	shalt  }
0x80: {  	_ =	shalt  }
0x81: {  	_ =	shalt  }
0x82: {  	_ =	shalt  }
0x83: {  	_ =	shalt  }
0x84: {  	_ =	shalt  }
0x85: {  	_ =	shalt  }
0x86: {  	_ =	shalt  }
0x87: {  	_ =	shalt  }
.Lfunc_end0:
.L_simem_size_0:
called_computation_lowered:
.L_overlay_start_0:
0x88: {  	s2 =	sld [smem:$0x3FD9]  }
0x89: {  	s3 =	sld [smem:$0x3FFE];
	_ =	sdelay $0x1  }
0x8a: {  	s1 =	srdreg.scid  }
0x8b: {  	s0 =	sand.u32 $0x1, s1  }
0x8c: {  	s17 =	sshll.u32 s0, $0xA;
	s2 =	sadd.s32 s3, s2  }
0x8d: {  	s2 =	sadd.s32 s2, s17  }
0x8e: {  	[smem:$0x3FC6] =	sst s2  }
0x8f: {  	_ = 	snop  }
0x90: {  	s2 =	sld [smem:$0x3FC8];
	(tm) =	ssettm $0x1  }
0x91: {  	s18 =	sld [smem:$0x3FFB];
	_ =	sdelay $0x3  }
0x92: {  	_ =	strace s18  }
0x93: {  	s3 =	sld [smem:$0x3FFC];
	_ =	sdelay $0x3  }
0x94: {  	_ =	strace s3  }
0x95: {  	s3 =	sld [smem:$0x3FFD];
	_ =	sdelay $0x3  }
0x96: {  	_ =	strace s3  }
0x97: {  	_ =	strace $0x8FFFFFFF  }
0x98: {  	s19 =	sld [smem:$0x3FDB];
	_ =	sdelay $0x1  }
0x99: {  	s4 =	simm.s32 $_scs_section_size  }
0x9a: {  	s5 =	simm.s32 $_size__tile_overlayer_lowered;
	s6 =	simm.s32 $_tile_overlayer_lowered  }
0x9b: {  	s22 =	simm.s32 $0x1BFF;
	s21 =	sshll.u32 s6, $0x1;
	s3 =	sadd.s32 s4, s19  }
0x9c: {  	s7 =	simm.s32 $0x0;
	s20 =	sshll.u32 s5, $0x1;
	s5 =	sadd.s32 s21, s3  }
0x9d: {  	[timem:s7], [sflag:s22] =	dma.local [hbm:s5], s20  }
0x9e: {  	_ =	swait.ge [sflag:s22], s20  }
0x9f: {  	s4 =	ssub.s32 $0x0, s20;
	[sflag:s22] =	ssyncset.done $0x0  }
0xa0: {  	[sflag:s22] =	ssyncadd.s32 s4;
	_ =	sdelay $0x1  }
0xa1: {  	s23 =	simm.s32 $0x1B8B  }
0xa2: {  	_ =	swait.ge [sflag:s23], $0x1  }
0xa3: {  	[sflag:s23] =	ssyncset.done $0x0  }
0xa4: {  	s25 =	simm.s32 $0x1B8E;
	s24 =	sld [smem:$0x3FFE];
	[sflag:s23] =	ssyncadd.s32 $0xFFFFFFFF  }
0xa5: {  	s26 =	simm.s32 $execute0_lowered;
	[smem:$0x3FD2] =	sst s25  }
0xa6: {  	s5 =	sshll.u32 s26, $0x1;
	_ =	strace $0x80000046;
	[dreg:$0x1] =	wrdreg $0xFFFFFFFF  }
0xa7: {  	s28 =	simm.s32 $_size_execute0_lowered;
	s3 =	sadd.s32 s3, s5;
	[dreg:$0x0] =	wrdreg $0x0  }
0xa8: {  	s5 =	sshll.u32 s28, $0x1;
	[dreg:$0x2] =	wrdreg s3  }
0xa9: {  	[dreg:$0x3] =	wrdreg s5  }
0xaa: {  	[dreg:$0x4] =	wrdreg $0xC0  }
0xab: {  	_ =	task [dreg:s7], $0x5FFFF  }
0xac: {  	[dreg:$0x1] =	wrdreg $0xFFFFFFFF  }
0xad: {  	[dreg:$0x0] =	wrdreg $0x60  }
0xae: {  	[dreg:$0x2] =	wrdreg s2  }
0xaf: {  	[dreg:$0x3] =	wrdreg s24  }
0xb0: {  	[dreg:$0x4] =	wrdreg $0x9  }
0xb1: {  	_ =	task.clear_ibuf [dreg:s7], $0x5FFFF;
	_ =	strace $0x90000046  }
0xb2: {  	s29 =	simm.s32 $0x9;
	_ =	strace $0x80000048  }
0xb3: {  	_ =	swait.ge [sflag:s29], $0x1  }
0xb4: {  	[sflag:s29] =	ssyncadd.s32 $0xFFFFFFFF  }
0xb5: {  	_ =	strace $0x90000048  }
0xb6: {  	_ =	sfence  }
0xb7: {  	s30 =	sld [smem:$0x0];
	_ =	sdelay $0x2  }
0xb8: {  	s31 =	sshll.u32 s1, $0xD;
	s1 =	sshrl.u32 s1, $0x2  }
0xb9: {  	s3 =	sand.u32 $0x4000, s31;
	s1 =	sadd.s32 s1, s30  }
0xba: {  	s0 =	sor.u32 s3, s0;
	s1 =	sshll.u32 s1, $0x11  }
0xbb: {  	s0 =	sor.u32 s1, s0  }
0xbc: {  	s0 =	sadd.s32 $0x8F2B, s0  }
0xbd: {  	[sflag:s0] =	ssyncadd.remote.s32 $0x1  }
0xbe: {  	_ =	sfence.sel $0xFFFF  }
0xbf: {  	[dreg:$0x0] =	wrdreg $0xFFFFFFFF;
	(pc) =	sbr.abs _section_cstart, $3  }
0xc0: {  	[dreg:$0x1] =	wrdreg $0xFFFFFFFF  }
0xc1: {  	_ =	task.clear_ibuf [dreg:s7], $0x2FFFF;
	_ =	strace $0x9FFFFFFF  }
0xc2: {  	(tm) =	ssettm $0x7FFFFFFF  }
0xc3: {  	_ =	shalt  }
tec
execute0_lowered:
.L_overlay_start_1:
0x0: {  	(tag) =	ssettag $0x1  }
0x1: {  	s1 =	rddreg [dreg:$0x0]  }
0x2: {  	s4 =	rddreg [dreg:$0x1]  }
0x3: {  	s0 =	rddreg [dreg:$0x2];
	s5 =	srdreg.scid  }
0x4: {  	s3 =	simm.s32 $0x0;
	s2 =	stileid.u32;
	s10 =	simm.s32 $0x1080  }
0x5: {  	s11 =	simm.s32 $0x1880;
	s12 =	simm.s32 $0x2080;
	s13 =	simm.s32 $0x2880  }
0x6: {  	s14 =	simm.s32 $0x3080;
	s15 =	simm.s32 $0x3880;
	s16 =	simm.s32 $0x4080  }
0x7: {  	s17 =	simm.s32 $0x4880;
	s18 =	simm.s32 $0x5080;
	s19 =	simm.s32 $0x5880  }
0x8: {  	s20 =	simm.s32 $0x6080;
	s21 =	simm.s32 $0x6880;
	s22 =	simm.s32 $0x7080  }
0x9: {  	s23 =	simm.s32 $0x7880;
	s24 =	simm.s32 $0x1;
	s25 =	simm.s32 $0x0  }
0xa: {  	s5 =	sand.u32 $0x1, s5;
	[smem:$0x7FF] =	sst s3;
	s6 =	sshll.u32 s2, $0xB  }
0xb: {  	s8 =	sshll.u32 s2, $0x10;
	s7 =	sshll.u32 s5, $0xA;
	_ =	strace $0x80000047  }
0xc: {  	s31 =	ssub.s32 $0x2, s5;
	s8 =	sadd.s32 s8, s4;
	s5 =	sshll.u32 s5, $0xF  }
0xd: {  	s6 =	sor.u32 s7, s6;
	s9 =	sshrl.u32 s31, $0x1;
	s5 =	sadd.s32 s5, s8  }
0xe: {  	v2 =	vlaneseq.u32;
	s8 =	simm.s32 $0x80;
	s6 =	sshrl.u32 s6, $0x3;
	s7 =	ssub.s32 s31, s9  }
0xf: {  	vm0 =	vmmov $0xffff;
	v1 =	vshrl.u32 v2, $0x3;
	s5 =	sadd.s32 $0x1C00, s5;
	s9 =	simm.s32 $0x880;
	s6 =	sadd.s32 s6, s4  }
0x10: {  	v0 =	vand.u32 $0x7, v2;
	v2 =	vor.u32 $0x8, v2;
	v1 =	vmul.u32 $0x8, v1;
	s4 =	smax.u32 s7, $0x1;
	s7 =	simm.s32 $0x2;
	s6 =	sadd.s32 $0xC00, s6  }
.LBB2_1:
0x11: {  	s26 =	smov.u32 s5;
	s28 =	simm.s32 $0x0  }
.LBB2_2:
0x12: {  	s29 =	sadd.s32 s28, s6  }
0x13: {  	[tilespmem:s3], [sflag:$0x2] =	stream.linear.gather [hbm4b:s29+s3], $0x80, $0x38;
	[tilespmem:$0x8080] =	vst v63  }
0x14: {  	_ =	swait.ge [sflag:s7], $0x80  }
0x15: {  	[sflag:s7] =	ssyncset.done $0x0  }
0x16: {  	[sflag:s7] =	ssyncadd.s32 $0xFFFFFF80  }
0x17: {  	v3 =	vld [tilespmem:$0x0];
	_ =	sdelay $0x4  }
0x18: {  	v4 =	vshll.u32 v3, $0x1  }
0x19: {  	v3 =	vand.u32 $0x7, v3;
	v4 =	vand.u32 $0xFFFFFFF0, v4  }
0x1a: {  	v3 =	vor.u32 v3, v4  }
0x1b: {  	v4 =	vperm.xlane v3, v0;
	_ =	sdelay $0x1  }
0x1c: {  	v3 =	vperm.xlane v3, v2;
	v4 =	vadd.s32 v1, v4;
	_ =	sdelay $0x1  }
0x1d: {  	v3 =	vadd.s32 v1, v3;
	_ =	sdelay $0x2  }
0x1e: {  	[tilespmem:s8], [sflag:$0x1] =	stream.indirect_vreg.gather [hbm4b:s1+s3], $0x80, v4, vm0, $0xb8;
	[tilespmem:$0x8080] =	vst v63  }
0x1f: {  	_ = 	snop  }
0x20: {  	[tilespmem:s9], [sflag:$0x1] =	stream.indirect_vreg.gather [hbm4b:s1+s3], $0x80, v3, vm0, $0xb8;
	[tilespmem:$0x8080] =	vst v63  }
0x21: {  	v3 =	vld [tilespmem:$0x10];
	_ =	sdelay $0x4  }
0x22: {  	v57 =	vshll.u32 v3, $0x1  }
0x23: {  	v3 =	vand.u32 $0x7, v3;
	v4 =	vand.u32 $0xFFFFFFF0, v57  }
0x24: {  	v3 =	vor.u32 v3, v4  }
0x25: {  	v4 =	vperm.xlane v3, v0;
	_ =	sdelay $0x1  }
0x26: {  	v3 =	vperm.xlane v3, v2;
	v4 =	vadd.s32 v1, v4;
	_ =	sdelay $0x1  }
0x27: {  	v3 =	vadd.s32 v1, v3;
	_ =	sdelay $0x2  }
0x28: {  	[tilespmem:s10], [sflag:$0x1] =	stream.indirect_vreg.gather [hbm4b:s1+s3], $0x80, v4, vm0, $0xb8;
	[tilespmem:$0x8080] =	vst v63  }
0x29: {  	_ = 	snop  }
0x2a: {  	[tilespmem:s11], [sflag:$0x1] =	stream.indirect_vreg.gather [hbm4b:s1+s3], $0x80, v3, vm0, $0xb8;
	[tilespmem:$0x8080] =	vst v63  }
0x2b: {  	v3 =	vld [tilespmem:$0x20];
	_ =	sdelay $0x4  }
0x2c: {  	v58 =	vshll.u32 v3, $0x1  }
0x2d: {  	v3 =	vand.u32 $0x7, v3;
	v4 =	vand.u32 $0xFFFFFFF0, v58  }
0x2e: {  	v3 =	vor.u32 v3, v4  }
0x2f: {  	v4 =	vperm.xlane v3, v0;
	_ =	sdelay $0x1  }
0x30: {  	v3 =	vperm.xlane v3, v2;
	v4 =	vadd.s32 v1, v4;
	_ =	sdelay $0x1  }
0x31: {  	v3 =	vadd.s32 v1, v3;
	_ =	sdelay $0x2  }
0x32: {  	[tilespmem:s12], [sflag:$0x1] =	stream.indirect_vreg.gather [hbm4b:s1+s3], $0x80, v4, vm0, $0xb8;
	[tilespmem:$0x8080] =	vst v63  }
0x33: {  	_ = 	snop  }
0x34: {  	[tilespmem:s13], [sflag:$0x1] =	stream.indirect_vreg.gather [hbm4b:s1+s3], $0x80, v3, vm0, $0xb8;
	[tilespmem:$0x8080] =	vst v63  }
0x35: {  	v3 =	vld [tilespmem:$0x30];
	_ =	sdelay $0x4  }
0x36: {  	v59 =	vshll.u32 v3, $0x1  }
0x37: {  	v3 =	vand.u32 $0x7, v3;
	v4 =	vand.u32 $0xFFFFFFF0, v59  }
0x38: {  	v3 =	vor.u32 v3, v4  }
0x39: {  	v4 =	vperm.xlane v3, v0;
	_ =	sdelay $0x1  }
0x3a: {  	v3 =	vperm.xlane v3, v2;
	v4 =	vadd.s32 v1, v4;
	_ =	sdelay $0x1  }
0x3b: {  	v3 =	vadd.s32 v1, v3;
	_ =	sdelay $0x2  }
0x3c: {  	[tilespmem:s14], [sflag:$0x1] =	stream.indirect_vreg.gather [hbm4b:s1+s3], $0x80, v4, vm0, $0xb8;
	[tilespmem:$0x8080] =	vst v63  }
0x3d: {  	_ = 	snop  }
0x3e: {  	[tilespmem:s15], [sflag:$0x1] =	stream.indirect_vreg.gather [hbm4b:s1+s3], $0x80, v3, vm0, $0xb8;
	[tilespmem:$0x8080] =	vst v63  }
0x3f: {  	v3 =	vld [tilespmem:$0x40];
	_ =	sdelay $0x4  }
0x40: {  	v60 =	vshll.u32 v3, $0x1  }
0x41: {  	v3 =	vand.u32 $0x7, v3;
	v4 =	vand.u32 $0xFFFFFFF0, v60  }
0x42: {  	v3 =	vor.u32 v3, v4  }
0x43: {  	v4 =	vperm.xlane v3, v0;
	_ =	sdelay $0x1  }
0x44: {  	v3 =	vperm.xlane v3, v2;
	v4 =	vadd.s32 v1, v4;
	_ =	sdelay $0x1  }
0x45: {  	v3 =	vadd.s32 v1, v3;
	_ =	sdelay $0x2  }
0x46: {  	[tilespmem:s16], [sflag:$0x1] =	stream.indirect_vreg.gather [hbm4b:s1+s3], $0x80, v4, vm0, $0xb8;
	[tilespmem:$0x8080] =	vst v63  }
0x47: {  	_ = 	snop  }
0x48: {  	[tilespmem:s17], [sflag:$0x1] =	stream.indirect_vreg.gather [hbm4b:s1+s3], $0x80, v3, vm0, $0xb8;
	[tilespmem:$0x8080] =	vst v63  }
0x49: {  	v3 =	vld [tilespmem:$0x50];
	_ =	sdelay $0x4  }
0x4a: {  	v61 =	vshll.u32 v3, $0x1  }
0x4b: {  	v3 =	vand.u32 $0x7, v3;
	v4 =	vand.u32 $0xFFFFFFF0, v61  }
0x4c: {  	v3 =	vor.u32 v3, v4  }
0x4d: {  	v4 =	vperm.xlane v3, v0;
	_ =	sdelay $0x1  }
0x4e: {  	v3 =	vperm.xlane v3, v2;
	v4 =	vadd.s32 v1, v4;
	_ =	sdelay $0x1  }
0x4f: {  	v3 =	vadd.s32 v1, v3;
	_ =	sdelay $0x2  }
0x50: {  	[tilespmem:s18], [sflag:$0x1] =	stream.indirect_vreg.gather [hbm4b:s1+s3], $0x80, v4, vm0, $0xb8;
	[tilespmem:$0x8080] =	vst v63  }
0x51: {  	_ = 	snop  }
0x52: {  	[tilespmem:s19], [sflag:$0x1] =	stream.indirect_vreg.gather [hbm4b:s1+s3], $0x80, v3, vm0, $0xb8;
	[tilespmem:$0x8080] =	vst v63  }
0x53: {  	v3 =	vld [tilespmem:$0x60];
	_ =	sdelay $0x4  }
0x54: {  	v62 =	vshll.u32 v3, $0x1  }
0x55: {  	v3 =	vand.u32 $0x7, v3;
	v4 =	vand.u32 $0xFFFFFFF0, v62  }
0x56: {  	v3 =	vor.u32 v3, v4  }
0x57: {  	v4 =	vperm.xlane v3, v0;
	_ =	sdelay $0x1  }
0x58: {  	v3 =	vperm.xlane v3, v2;
	v4 =	vadd.s32 v1, v4;
	_ =	sdelay $0x1  }
0x59: {  	v3 =	vadd.s32 v1, v3;
	_ =	sdelay $0x2  }
0x5a: {  	[tilespmem:s20], [sflag:$0x1] =	stream.indirect_vreg.gather [hbm4b:s1+s3], $0x80, v4, vm0, $0xb8;
	[tilespmem:$0x8080] =	vst v63  }
0x5b: {  	_ = 	snop  }
0x5c: {  	[tilespmem:s21], [sflag:$0x1] =	stream.indirect_vreg.gather [hbm4b:s1+s3], $0x80, v3, vm0, $0xb8;
	[tilespmem:$0x8080] =	vst v63  }
0x5d: {  	v3 =	vld [tilespmem:$0x70];
	_ =	sdelay $0x4  }
0x5e: {  	v63 =	vshll.u32 v3, $0x1  }
0x5f: {  	v3 =	vand.u32 $0x7, v3;
	v4 =	vand.u32 $0xFFFFFFF0, v63  }
0x60: {  	v3 =	vor.u32 v3, v4  }
0x61: {  	v4 =	vperm.xlane v3, v0;
	_ =	sdelay $0x1  }
0x62: {  	v3 =	vperm.xlane v3, v2;
	v4 =	vadd.s32 v1, v4;
	_ =	sdelay $0x1  }
0x63: {  	v3 =	vadd.s32 v1, v3;
	_ =	sdelay $0x2  }
0x64: {  	[tilespmem:s22], [sflag:$0x1] =	stream.indirect_vreg.gather [hbm4b:s1+s3], $0x80, v4, vm0, $0xb8;
	[tilespmem:$0x8080] =	vst v63  }
0x65: {  	_ = 	snop  }
0x66: {  	[tilespmem:s23], [sflag:$0x1] =	stream.indirect_vreg.gather [hbm4b:s1+s3], $0x80, v3, vm0, $0xb8;
	[tilespmem:$0x8080] =	vst v63  }
0x67: {  	_ =	swait.ge [sflag:s24], $0x8000  }
0x68: {  	p0 =	sne.s32 s28, $0x70;
	[sflag:s24] =	ssyncset.done $0x0  }
.Ltmp0:
0x69: {  	[sflag:s24] =	ssyncadd.s32 $0xFFFF8000;
	(pc) =	sbr.rel @p0 .LBB2_2-.Ltmp0, $4  }
0x6a: {  	[hbm4b:s26+s3] =	stream.linear.scatter [tilespmem:s8], [sflag:$0x2], $0x8000, $0x38;
	[tilespmem:$0x8080] =	vst v63  }
0x6b: {  	_ =	swait.ge [sflag:s7], $0x8000  }
0x6c: {  	[sflag:s7] =	ssyncset.done $0x0  }
0x6d: {  	s28 =	sadd.s32 $0x10, s28;
	s26 =	sadd.s32 $0x1000, s26;
	[sflag:s7] =	ssyncadd.s32 $0xFFFF8000  }
0x6e: {  	s25 =	sadd.s32 $0x1, s25  }
0x6f: {  	p0 =	sne.s32 s25, s4  }
.Ltmp1:
0x70: {  	_ = 	snop;
	(pc) =	sbr.rel @p0 .LBB2_1-.Ltmp1, $1  }
0x71: {  	_ =	sdelay $0x3  }
0x72: {  	_ =	sfence.sel $0x180000  }
0x73: {  	[bflag:$0x0] =	sbarrier.arrive $0xFFFF  }
0x74: {  	p0 =	sne.s32 s2, $0x0;
	_ =	strace $0x90000047  }
0x75: {  	s0 =	sadd.s32 @!p0 $0x100000, s0;
	[bflag:$0x2] =	sbarrier.arrive $0xFFFF  }
0x76: {  	[sflag:s0] =	ssyncadd.tile.s32 @!p0 $0x1;
	_ =	shalt  }
.Lfunc_end2:
_tile_overlayer_lowered:
.L_overlay_start_2:
0x77: {  	(tag) =	ssettag $0x2  }
0x78: {  	s0 =	rddreg [dreg:$0x0];
	s2 =	stileid.u32  }
0x79: {  	s1 =	rddreg [dreg:$0x1];
	p0 =	sne.s32 s2, $0x0  }
0x7a: {  	s3 =	rddreg [dreg:$0x2];
	[bflag:$0x3] =	sbarrier.arrive $0xFFFF;
	s2 =	simm.s32 @!p0 $0x1C02  }
0x7b: {  	[timem:s3], [sflag:s2] =	dma.local @!p0 [hbm:s0], s1  }
0x7c: {  	s0 =	simm.s32 @!p0 $0x2  }
0x7d: {  	_ =	swait.ge @!p0 [sflag:s0], s1  }
0x7e: {  	s1 =	ssub.s32 @!p0 $0x0, s1;
	[sflag:s0] =	ssyncset.done @!p0 $0x0  }
0x7f: {  	[sflag:s0] =	ssyncadd.s32 @!p0 s1  }
0x80: {  	[bflag:$0x3] =	sbarrier.arrive $0xFFFF  }
0x81: {  	_ =	shalt  }

</sc_bundles>
